<compile_context>
chip_gen: v7x
topology: tpu7x:2x2x1
jax: 0.10.2.dev20260603
libtpu: 0.0.44.dev20260713+nightly
codegen_flags: <defaults>
</compile_context>

<pallas_src>
import functools

import jax
import jax.numpy as jnp
from jax import lax
from jax.experimental import pallas as pl
from jax.experimental.pallas import tpu as pltpu
from jax.experimental.pallas import tpu_sc as plsc

N = 10000
D = 128
E = 320000
NUM_SEEDS = 4500

NC = 2
NS = 16
L = 16

NROWS = 10240
ROWS_PER_TILE = NROWS // NS
ZROWS = 64
CHUNK = 128
EDGES_PER_TILE = 20096
CE = EDGES_PER_TILE // CHUNK
E_PAD = EDGES_PER_TILE * NS
SEEDS_PER_TILE = 288
SEED_CHUNK = 96
CS = SEEDS_PER_TILE // SEED_CHUNK
SEEDS_PAD = SEEDS_PER_TILE * NS

BR = 1024
NBLK = NROWS // BR

_MESH = plsc.VectorSubcoreMesh(core_axis_name="c", subcore_axis_name="s")


def _sc_count(dst_idx):

    @functools.partial(
        pl.kernel,
        out_type=jax.ShapeDtypeStruct((NC, NROWS, D), jnp.float32),
        mesh=_MESH,
        scratch_types=[
            pltpu.VMEM((CHUNK,), jnp.int32),
            pltpu.VMEM((CHUNK, D), jnp.float32),
            pltpu.VMEM_SHARED((NROWS, D), jnp.float32),
        ],
    )
    def k(dst_hbm, cnt_hbm, idx_v, ones_v, cnt_sh):
        c = lax.axis_index("c")
        s = lax.axis_index("s")
        row0 = s * ROWS_PER_TILE
        ebase = c * E_PAD + s * EDGES_PER_TILE

        @pl.loop(0, CHUNK * (D // L))
        def _(t):
            r = t // (D // L)
            kk = t - r * (D // L)
            ones_v[r, pl.ds(kk * L, L)] = jnp.zeros((L,), jnp.float32)

        @pl.loop(0, ROWS_PER_TILE // CHUNK)
        def _(j):
            pltpu.sync_copy(ones_v, cnt_sh.at[pl.ds(row0 + j * CHUNK, CHUNK)])

        @pl.loop(0, CHUNK * (D // L))
        def _(t):
            r = t // (D // L)
            kk = t - r * (D // L)
            ones_v[r, pl.ds(kk * L, L)] = jnp.full((L,), 1.0, jnp.float32)

        plsc.subcore_barrier()

        @pl.loop(0, CE)
        def _(j):
            pltpu.sync_copy(dst_hbm.at[pl.ds(ebase + j * CHUNK, CHUNK)], idx_v)
            pltpu.sync_copy(ones_v, cnt_sh.at[idx_v], add=True)

        plsc.subcore_barrier()

        @pl.loop(0, ROWS_PER_TILE // CHUNK)
        def _(j):
            pltpu.sync_copy(cnt_sh.at[pl.ds(row0 + j * CHUNK, CHUNK)], ones_v)
            pltpu.sync_copy(ones_v, cnt_hbm.at[c, pl.ds(row0 + j * CHUNK, CHUNK)])

    return k(dst_idx)


def _sc_scatter(hn, src_idx, dst_idx):

    @functools.partial(
        pl.kernel,
        out_type=jax.ShapeDtypeStruct((NC, NROWS, D), jnp.float32),
        mesh=_MESH,
        scratch_types=[
            pltpu.VMEM((CHUNK,), jnp.int32),
            pltpu.VMEM((CHUNK,), jnp.int32),
            pltpu.VMEM((CHUNK, D), jnp.float32),
            pltpu.VMEM_SHARED((NROWS, D), jnp.float32),
            pltpu.SemaphoreType.DMA,
        ],
    )
    def k(hn_hbm, src_hbm, dst_hbm, s_hbm, si_v, di_v, rows_v, acc_sh, sem):
        c = lax.axis_index("c")
        s = lax.axis_index("s")
        row0 = s * ROWS_PER_TILE
        ebase = c * E_PAD + s * EDGES_PER_TILE

        @pl.loop(0, CHUNK * (D // L))
        def _(t):
            r = t // (D // L)
            kk = t - r * (D // L)
            rows_v[r, pl.ds(kk * L, L)] = jnp.zeros((L,), jnp.float32)

        @pl.loop(0, ROWS_PER_TILE // CHUNK)
        def _(j):
            pltpu.sync_copy(rows_v,
                            acc_sh.at[pl.ds(row0 + j * CHUNK, CHUNK)])

        plsc.subcore_barrier()

        @pl.loop(0, CE)
        def _(j):
            pltpu.sync_copy(src_hbm.at[pl.ds(ebase + j * CHUNK, CHUNK)], si_v)
            pltpu.sync_copy(dst_hbm.at[pl.ds(ebase + j * CHUNK, CHUNK)], di_v)
            pltpu.async_copy(hn_hbm.at[c].at[si_v], rows_v, sem).wait()
            pltpu.sync_copy(rows_v, acc_sh.at[di_v], add=True)

        plsc.subcore_barrier()

        @pl.loop(0, ROWS_PER_TILE // CHUNK)
        def _(j):
            pltpu.sync_copy(acc_sh.at[pl.ds(row0 + j * CHUNK, CHUNK)], rows_v)
            pltpu.sync_copy(rows_v, s_hbm.at[c, pl.ds(row0 + j * CHUNK, CHUNK)])

    return k(hn, src_idx, dst_idx)


def _sc_seed_gather(h, seeds):

    @functools.partial(
        pl.kernel,
        out_type=jax.ShapeDtypeStruct((NC, SEEDS_PAD, D), jnp.float32),
        mesh=_MESH,
        scratch_types=[
            pltpu.VMEM((SEED_CHUNK,), jnp.int32),
            pltpu.VMEM((SEED_CHUNK, D), jnp.float32),
            pltpu.SemaphoreType.DMA,
        ],
    )
    def k(h_hbm, seeds_hbm, out_hbm, idx_v, rows_v, sem):
        c = lax.axis_index("c")
        s = lax.axis_index("s")

        @pl.loop(0, CS)
        def _(j):
            off = s * SEEDS_PER_TILE + j * SEED_CHUNK
            pltpu.sync_copy(seeds_hbm.at[pl.ds(c * SEEDS_PAD + off, SEED_CHUNK)], idx_v)
            pltpu.async_copy(h_hbm.at[c].at[idx_v], rows_v, sem).wait()
            pltpu.sync_copy(rows_v, out_hbm.at[c, pl.ds(off, SEED_CHUNK)])

    return k(h, seeds)


def _dinv_block(cnt_blk, blk_idx):
    dinv = lax.rsqrt(cnt_blk + 1.0)
    rows = blk_idx * BR + lax.broadcasted_iota(jnp.int32, (BR, 1), 0)
    return jnp.where(rows < N, dinv, 0.0)


def _tc_hn0(x, cnt):
    def body(x_ref, cnt_ref, hn_ref):
        dinv = _dinv_block(cnt_ref[0], pl.program_id(1))
        hn_ref[0] = x_ref[0] * dinv

    return pl.pallas_call(
        body,
        grid=(NC, NBLK),
        in_specs=[
            pl.BlockSpec((1, BR, D), lambda g, i: (g, i, 0)),
            pl.BlockSpec((1, BR, D), lambda g, i: (g, i, 0)),
        ],
        out_specs=pl.BlockSpec((1, BR, D), lambda g, i: (g, i, 0)),
        out_shape=jax.ShapeDtypeStruct((NC, NROWS, D), jnp.float32),
    )(x, cnt)


def _tc_layer(s_arr, hn, hp, cnt, w):
    def body(s_ref, hn_ref, hp_ref, cnt_ref, w_ref, ho_ref, hno_ref):
        dinv = _dinv_block(cnt_ref[0], pl.program_id(1))
        agg = (s_ref[0] + hn_ref[0]) * dinv
        h = jnp.dot(agg, w_ref[...], preferred_element_type=jnp.float32) + hp_ref[0]
        h = jnp.maximum(h, 0.0)
        ho_ref[0] = h
        hno_ref[0] = h * dinv

    return pl.pallas_call(
        body,
        grid=(NC, NBLK),
        in_specs=[
            pl.BlockSpec((1, BR, D), lambda g, i: (g, i, 0)),
            pl.BlockSpec((1, BR, D), lambda g, i: (g, i, 0)),
            pl.BlockSpec((1, BR, D), lambda g, i: (g, i, 0)),
            pl.BlockSpec((1, BR, D), lambda g, i: (g, i, 0)),
            pl.BlockSpec((D, D), lambda g, i: (0, 0)),
        ],
        out_specs=[
            pl.BlockSpec((1, BR, D), lambda g, i: (g, i, 0)),
            pl.BlockSpec((1, BR, D), lambda g, i: (g, i, 0)),
        ],
        out_shape=[
            jax.ShapeDtypeStruct((NC, NROWS, D), jnp.float32),
            jax.ShapeDtypeStruct((NC, NROWS, D), jnp.float32),
        ],
    )(s_arr, hn, hp, cnt, w)


def _pad_idx(a, n_pad, fill):
    return jnp.concatenate([a, jnp.full((n_pad - a.shape[0],), fill, jnp.int32)])


def kernel(sr_ent_seeds, tg_ent_seeds, edges_sr, edges_tg,
           entity_vec_sr, entity_vec_tg, W0, W1):
    src = jnp.concatenate([_pad_idx(edges_sr[0], E_PAD, N),
                           _pad_idx(edges_tg[0], E_PAD, N)])
    dst = jnp.concatenate([_pad_idx(edges_sr[1], E_PAD, N),
                           _pad_idx(edges_tg[1], E_PAD, N)])
    seeds = jnp.concatenate([_pad_idx(sr_ent_seeds, SEEDS_PAD, 0),
                             _pad_idx(tg_ent_seeds, SEEDS_PAD, 0)])
    x0 = jnp.stack([
        jnp.pad(entity_vec_sr, ((0, NROWS - N), (0, 0))),
        jnp.pad(entity_vec_tg, ((0, NROWS - N), (0, 0))),
    ])

    cnt = _sc_count(dst)
    hn0 = _tc_hn0(x0, cnt)
    s0 = _sc_scatter(hn0, src, dst)
    h1, hn1 = _tc_layer(s0, hn0, x0, cnt, W0)
    s1 = _sc_scatter(hn1, src, dst)
    h2, _ = _tc_layer(s1, hn1, h1, cnt, W1)
    sg = _sc_seed_gather(h2, seeds)

    return (sg[0, :NUM_SEEDS], sg[1, :NUM_SEEDS], h2[0, :N], h2[1, :N])

# --- scband reference (transcript-rebuilt; emitter-appended) ---
"""Pipeline reference for scband-name-embed-3908420239567 (READ-ONLY COPY).

The authoritative reference and input builder live on the scoring server;
editing this copy changes nothing except your own understanding.
"""

import jax, jax.numpy as jnp
import numpy as np

N = 10000
E = 320000
D = 128
NUM_SEEDS = 4500
LAYER_NUM = 2


def setup_inputs(seed: int = 0) -> dict:
    key = jax.random.key(seed)
    ks = jax.random.split(key, 10)
    edges_sr = jax.random.randint(ks[0], (2, E), 0, N, dtype=jnp.int32)
    edges_tg = jax.random.randint(ks[1], (2, E), 0, N, dtype=jnp.int32)
    entity_vec_sr = jax.random.normal(ks[2], (N, D), dtype=jnp.float32)
    entity_vec_tg = jax.random.normal(ks[3], (N, D), dtype=jnp.float32)
    sr_ent_seeds = jax.random.randint(ks[4], (NUM_SEEDS,), 0, N, dtype=jnp.int32)
    tg_ent_seeds = jax.random.randint(ks[5], (NUM_SEEDS,), 0, N, dtype=jnp.int32)
    scale = 1.0 / np.sqrt(D)
    W0 = jax.random.normal(ks[6], (D, D), dtype=jnp.float32) * scale
    W1 = jax.random.normal(ks[7], (D, D), dtype=jnp.float32) * scale
    return {
        "sr_ent_seeds": sr_ent_seeds,
        "tg_ent_seeds": tg_ent_seeds,
        "edges_sr": edges_sr,
        "edges_tg": edges_tg,
        "entity_vec_sr": entity_vec_sr,
        "entity_vec_tg": entity_vec_tg,
        "W0": W0,
        "W1": W1,
    }


def _gcn_forward(edges, X, Ws):
    n = X.shape[0]
    loop = jnp.arange(n, dtype=edges.dtype)
    src = jnp.concatenate([edges[0], loop])
    dst = jnp.concatenate([edges[1], loop])
    # symmetric GCN normalization with self-loops
    deg = jnp.zeros((n,), jnp.float32).at[dst].add(1.0)
    dinv = jax.lax.rsqrt(jnp.maximum(deg, 1.0))
    norm = dinv[src] * dinv[dst]
    H = X
    for W in Ws:
        msg = H[src] * norm[:, None]          # gather (SparseCore)
        agg = jnp.zeros_like(H).at[dst].add(msg)  # scatter-add (SparseCore)
        H = jax.nn.relu(agg @ W + H)          # residual GCN layer
    return H


def reference(sr_ent_seeds, tg_ent_seeds, edges_sr, edges_tg, entity_vec_sr, entity_vec_tg, W0, W1):
    Ws = [W0, W1]
    sr_ent_hid = _gcn_forward(edges_sr, entity_vec_sr, Ws)
    tg_ent_hid = _gcn_forward(edges_tg, entity_vec_tg, Ws)
    sr_seed_hid = jnp.take(sr_ent_hid, sr_ent_seeds, axis=0)
    tg_seed_hid = jnp.take(tg_ent_hid, tg_ent_seeds, axis=0)
    return (sr_seed_hid, tg_seed_hid, sr_ent_hid, tg_ent_hid)

if __name__ == "__main__":
    import jax
    _d = setup_inputs()
    print(jax.jit(kernel)(*tuple(_d.values())))

</pallas_src>

<mosaic_0001>
#map = affine_map<(d0, d1) -> (0, 0, 0)>
#map1 = affine_map<(d0, d1) -> (0)>
module attributes {stable_mosaic.version = 14 : i64} {
  func.func @k(%arg0: i32, %arg1: i32, %arg2: memref<2x10240x128xf32, #tpu.memory_space<hbm>>, %arg3: memref<643072xi32, #tpu.memory_space<hbm>>, %arg4: memref<643072xi32, #tpu.memory_space<hbm>>, %arg5: memref<2x10240x128xf32, #tpu.memory_space<hbm>>, %arg6: memref<128xi32, #tpu.memory_space<vmem>>, %arg7: memref<128xi32, #tpu.memory_space<vmem>>, %arg8: memref<128x128xf32, #tpu.memory_space<vmem>>, %arg9: memref<10240x128xf32, #tpu.memory_space<vmem_shared>>, %arg10: memref<!tpu.dma_semaphore, #tpu.memory_space<semaphore_mem>>) attributes {dimension_semantics = [#tpu.dimension_semantics<core_parallel>, #tpu.dimension_semantics<subcore_parallel>], iteration_bounds = array<i64: 2, 16>, scalar_prefetch = 0 : i64, scratch_operands = 5 : i64, tpu.core_type = #tpu.core_type<sc_vector_subcore>, window_params = [{transform_indices = #map}, {transform_indices = #map1}, {transform_indices = #map1}, {transform_indices = #map}]} {
    %mul3A = arith.constant 640 : i32
    %mul3A_0 = arith.muli %arg1, %mul3A : i32
    %mul3A_1 = arith.constant 321536 : i32
    %mul3A_2 = arith.muli %arg0, %mul3A_1 : i32
    %mul3A_3 = arith.constant 20096 : i32
    %mul3A_4 = arith.muli %arg1, %mul3A_3 : i32
    %add3A = arith.addi %mul3A_2, %mul3A_4 : i32
    %scan3A = arith.constant 0 : i32
    %scan3A_5 = arith.constant 1024 : i32
    %scan3A_6 = arith.addi %scan3A, %scan3A_5 : i32
    %scan3A_7 = arith.constant 1 : i32
    scf.for %scan3A_25 = %scan3A to %scan3A_6 step %scan3A_7  : i32 {
      %mul3A_26 = arith.constant 1 : i32
      %mul3A_27 = arith.muli %scan3A_25, %mul3A_26 : i32
      %add3A_28 = arith.constant 0 : i32
      %add3A_29 = arith.addi %add3A_28, %mul3A_27 : i32
      %jit3A = arith.constant 8 : i32
      %div3A = arith.divsi %add3A_29, %jit3A : i32
      %sign3A = arith.constant 0 : i32
      %sign3A_30 = arith.cmpi sgt, %add3A_29, %sign3A : i32
      %sign3A_31 = arith.extui %sign3A_30 : i1 to i32
      %sign3A_32 = arith.constant 0 : i32
      %sign3A_33 = arith.cmpi slt, %add3A_29, %sign3A_32 : i32
      %sign3A_34 = arith.extui %sign3A_33 : i1 to i32
      %sign3A_35 = arith.subi %sign3A_31, %sign3A_34 : i32
      %sign3A_36 = arith.constant 0 : i32
      %sign3A_37 = arith.cmpi sgt, %jit3A, %sign3A_36 : i32
      %sign3A_38 = arith.extui %sign3A_37 : i1 to i32
      %sign3A_39 = arith.constant 0 : i32
      %sign3A_40 = arith.cmpi slt, %jit3A, %sign3A_39 : i32
      %sign3A_41 = arith.extui %sign3A_40 : i1 to i32
      %sign3A_42 = arith.subi %sign3A_38, %sign3A_41 : i32
      %ne3A = arith.cmpi ne, %sign3A_35, %sign3A_42 : i32
      %rem3A = arith.remsi %add3A_29, %jit3A : i32
      %ne3A_43 = arith.constant 0 : i32
      %ne3A_44 = arith.cmpi ne, %rem3A, %ne3A_43 : i32
      %and3A = arith.andi %ne3A, %ne3A_44 : i1
      %sub3A = arith.constant 1 : i32
      %sub3A_45 = arith.subi %div3A, %sub3A : i32
      %select_n3A = arith.select %and3A, %sub3A_45, %div3A : i32
      %mul3A_46 = arith.constant 8 : i32
      %mul3A_47 = arith.muli %select_n3A, %mul3A_46 : i32
      %sub3A_48 = arith.subi %add3A_29, %mul3A_47 : i32
      %broadcast_in_dim3A = arith.constant 0.000000e+00 : f32
      %broadcast_in_dim3A_49 = vector.broadcast %broadcast_in_dim3A : f32 to vector<16xf32>
      %mul3A_50 = arith.constant 16 : i32
      %mul3A_51 = arith.muli %sub3A_48, %mul3A_50 : i32
      %swap3A = arith.index_cast %select_n3A : i32 to index
      %swap3A_52 = arith.index_cast %mul3A_51 : i32 to index
      %swap3A_53 = tpu.vector_load %arg8[%swap3A, %swap3A_52] {strides = array<i32>} : memref<128x128xf32, #tpu.memory_space<vmem>>, vector<1x16xf32>,
      %swap3A_54 = vector.shape_cast %swap3A_53 : vector<1x16xf32> to vector<16xf32>
      %swap3A_55 = vector.shape_cast %broadcast_in_dim3A_49 : vector<16xf32> to vector<1x16xf32>
      tpu.vector_store %arg8[%swap3A, %swap3A_52], %swap3A_55 {strides = array<i32>} : memref<128x128xf32, #tpu.memory_space<vmem>>, vector<1x16xf32>,
    }
    %scan3A_8 = arith.constant 1024 : i32
    %scan3A_9 = arith.constant 0 : i32
    %scan3A_10 = arith.constant 5 : i32
    %scan3A_11 = arith.addi %scan3A_9, %scan3A_10 : i32
    %scan3A_12 = arith.constant 1 : i32
    scf.for %scan3A_25 = %scan3A_9 to %scan3A_11 step %scan3A_12  : i32 {
      %mul3A_26 = arith.constant 1 : i32
      %mul3A_27 = arith.muli %scan3A_25, %mul3A_26 : i32
      %add3A_28 = arith.constant 0 : i32
      %add3A_29 = arith.addi %add3A_28, %mul3A_27 : i32
      %mul3A_30 = arith.constant 128 : i32
      %mul3A_31 = arith.muli %add3A_29, %mul3A_30 : i32
      %add3A_32 = arith.addi %mul3A_0, %mul3A_31 : i32
      "tpu.region"() ({
        %run_scoped3A = tpu.sem_alloc : memref<!tpu.dma_semaphore, #tpu.memory_space<semaphore_mem>>
        %dma_start3A = arith.constant 0 : i32
        %dma_start3A_33 = tpu.memref_slice %arg9[%add3A_32, %dma_start3A] : memref<10240x128xf32, #tpu.memory_space<vmem_shared>> -> memref<128x128xf32, #tpu.memory_space<vmem_shared>>
        %dma_start3A_34 = arith.constant 0 : i32
        %dma_start3A_35 = tpu.memref_slice %arg9[%add3A_32, %dma_start3A_34] : memref<10240x128xf32, #tpu.memory_space<vmem_shared>> -> memref<128x128xf32, #tpu.memory_space<vmem_shared>>
        tpu.enqueue_dma source(%arg8 : memref<128x128xf32, #tpu.memory_space<vmem>>) target(%dma_start3A_35 : memref<128x128xf32, #tpu.memory_space<vmem_shared>>) target_semaphore(%run_scoped3A : memref<!tpu.dma_semaphore, #tpu.memory_space<semaphore_mem>>)
        %dma_wait3A = arith.constant 0 : i32
        %dma_wait3A_36 = tpu.memref_slice %arg9[%add3A_32, %dma_wait3A] : memref<10240x128xf32, #tpu.memory_space<vmem_shared>> -> memref<128x128xf32, #tpu.memory_space<vmem_shared>>
        %dma_wait3A_37 = arith.constant 0 : i32
        %dma_wait3A_38 = tpu.memref_slice %arg9[%add3A_32, %dma_wait3A_37] : memref<10240x128xf32, #tpu.memory_space<vmem_shared>> -> memref<128x128xf32, #tpu.memory_space<vmem_shared>>
        tpu.wait_dma2 semaphore(%run_scoped3A : memref<!tpu.dma_semaphore, #tpu.memory_space<semaphore_mem>>) src(%arg8 : memref<128x128xf32, #tpu.memory_space<vmem>>) dst(%dma_wait3A_38 : memref<128x128xf32, #tpu.memory_space<vmem_shared>>)
        tpu.yield
      }) : () -> ()
    }
    %scan3A_13 = arith.constant 5 : i32
    %barrier3A = arith.constant 0 : index
    tpu.barrier barrier_id(%barrier3A)
    %scan3A_14 = arith.constant 0 : i32
    %scan3A_15 = arith.constant 157 : i32
    %scan3A_16 = arith.addi %scan3A_14, %scan3A_15 : i32
    %scan3A_17 = arith.constant 1 : i32
    scf.for %scan3A_25 = %scan3A_14 to %scan3A_16 step %scan3A_17  : i32 {
      %mul3A_26 = arith.constant 1 : i32
      %mul3A_27 = arith.muli %scan3A_25, %mul3A_26 : i32
      %add3A_28 = arith.constant 0 : i32
      %add3A_29 = arith.addi %add3A_28, %mul3A_27 : i32
      %mul3A_30 = arith.constant 128 : i32
      %mul3A_31 = arith.muli %add3A_29, %mul3A_30 : i32
      %add3A_32 = arith.addi %add3A, %mul3A_31 : i32
      "tpu.region"() ({
        %run_scoped3A = tpu.sem_alloc : memref<!tpu.dma_semaphore, #tpu.memory_space<semaphore_mem>>
        %dma_start3A_48 = tpu.memref_slice %arg3[%add3A_32] : memref<643072xi32, #tpu.memory_space<hbm>> -> memref<128xi32, #tpu.memory_space<hbm>>
        %dma_start3A_49 = tpu.memref_slice %arg3[%add3A_32] : memref<643072xi32, #tpu.memory_space<hbm>> -> memref<128xi32, #tpu.memory_space<hbm>>
        tpu.enqueue_dma source(%dma_start3A_49 : memref<128xi32, #tpu.memory_space<hbm>>) target(%arg6 : memref<128xi32, #tpu.memory_space<vmem>>) target_semaphore(%run_scoped3A : memref<!tpu.dma_semaphore, #tpu.memory_space<semaphore_mem>>)
        %dma_wait3A_50 = tpu.memref_slice %arg3[%add3A_32] : memref<643072xi32, #tpu.memory_space<hbm>> -> memref<128xi32, #tpu.memory_space<hbm>>
        %dma_wait3A_51 = tpu.memref_slice %arg3[%add3A_32] : memref<643072xi32, #tpu.memory_space<hbm>> -> memref<128xi32, #tpu.memory_space<hbm>>
        tpu.wait_dma2 semaphore(%run_scoped3A : memref<!tpu.dma_semaphore, #tpu.memory_space<semaphore_mem>>) src(%dma_wait3A_51 : memref<128xi32, #tpu.memory_space<hbm>>) dst(%arg6 : memref<128xi32, #tpu.memory_space<vmem>>)
        tpu.yield
      }) : () -> ()
      %mul3A_33 = arith.constant 128 : i32
      %mul3A_34 = arith.muli %add3A_29, %mul3A_33 : i32
      %add3A_35 = arith.addi %add3A, %mul3A_34 : i32
      "tpu.region"() ({
        %run_scoped3A = tpu.sem_alloc : memref<!tpu.dma_semaphore, #tpu.memory_space<semaphore_mem>>
        %dma_start3A_48 = tpu.memref_slice %arg4[%add3A_35] : memref<643072xi32, #tpu.memory_space<hbm>> -> memref<128xi32, #tpu.memory_space<hbm>>
        %dma_start3A_49 = tpu.memref_slice %arg4[%add3A_35] : memref<643072xi32, #tpu.memory_space<hbm>> -> memref<128xi32, #tpu.memory_space<hbm>>
        tpu.enqueue_dma source(%dma_start3A_49 : memref<128xi32, #tpu.memory_space<hbm>>) target(%arg7 : memref<128xi32, #tpu.memory_space<vmem>>) target_semaphore(%run_scoped3A : memref<!tpu.dma_semaphore, #tpu.memory_space<semaphore_mem>>)
        %dma_wait3A_50 = tpu.memref_slice %arg4[%add3A_35] : memref<643072xi32, #tpu.memory_space<hbm>> -> memref<128xi32, #tpu.memory_space<hbm>>
        %dma_wait3A_51 = tpu.memref_slice %arg4[%add3A_35] : memref<643072xi32, #tpu.memory_space<hbm>> -> memref<128xi32, #tpu.memory_space<hbm>>
        tpu.wait_dma2 semaphore(%run_scoped3A : memref<!tpu.dma_semaphore, #tpu.memory_space<semaphore_mem>>) src(%dma_wait3A_51 : memref<128xi32, #tpu.memory_space<hbm>>) dst(%arg7 : memref<128xi32, #tpu.memory_space<vmem>>)
        tpu.yield
      }) : () -> ()
      %dma_start3A = arith.constant 0 : i32
      %dma_start3A_36 = arith.constant 0 : i32
      %dma_start3A_37 = tpu.memref_slice %arg2[%arg0, %dma_start3A, %dma_start3A_36] : memref<2x10240x128xf32, #tpu.memory_space<hbm>> -> memref<1x10240x128xf32, #tpu.memory_space<hbm>>
      %dma_start3A_38 = tpu.memref_squeeze %dma_start3A_37 : memref<1x10240x128xf32, #tpu.memory_space<hbm>> -> memref<10240x128xf32, #tpu.memory_space<hbm>>
      %dma_start3A_39 = arith.constant 0 : i32
      %dma_start3A_40 = arith.constant 0 : i32
      %dma_start3A_41 = tpu.memref_slice %dma_start3A_38[%dma_start3A_39, %dma_start3A_40] : memref<10240x128xf32, #tpu.memory_space<hbm>> -> memref<10240x128xf32, #tpu.memory_space<hbm>>
      tpu.enqueue_indirect_dma source(%dma_start3A_41 : memref<10240x128xf32, #tpu.memory_space<hbm>>) target(%arg8 : memref<128x128xf32, #tpu.memory_space<vmem>>) offsets(%arg6 : memref<128xi32, #tpu.memory_space<vmem>>) semaphore(%arg10 : memref<!tpu.dma_semaphore, #tpu.memory_space<semaphore_mem>>)
      %dma_wait3A = arith.constant 0 : i32
      %dma_wait3A_42 = arith.constant 0 : i32
      %dma_wait3A_43 = tpu.memref_slice %arg2[%arg0, %dma_wait3A, %dma_wait3A_42] : memref<2x10240x128xf32, #tpu.memory_space<hbm>> -> memref<1x10240x128xf32, #tpu.memory_space<hbm>>
      %dma_wait3A_44 = tpu.memref_squeeze %dma_wait3A_43 : memref<1x10240x128xf32, #tpu.memory_space<hbm>> -> memref<10240x128xf32, #tpu.memory_space<hbm>>
      %dma_wait3A_45 = arith.constant 0 : i32
      %dma_wait3A_46 = arith.constant 0 : i32
      %dma_wait3A_47 = tpu.memref_slice %dma_wait3A_44[%dma_wait3A_45, %dma_wait3A_46] : memref<10240x128xf32, #tpu.memory_space<hbm>> -> memref<10240x128xf32, #tpu.memory_space<hbm>>
      tpu.wait_indirect_dma semaphore(%arg10 : memref<!tpu.dma_semaphore, #tpu.memory_space<semaphore_mem>>) src(%dma_wait3A_47 : memref<10240x128xf32, #tpu.memory_space<hbm>>) dst(%arg8 : memref<128x128xf32, #tpu.memory_space<vmem>>)
      "tpu.region"() ({
        %run_scoped3A = tpu.sem_alloc : memref<!tpu.dma_semaphore, #tpu.memory_space<semaphore_mem>>
        %dma_start3A_48 = arith.constant 0 : i32
        %dma_start3A_49 = arith.constant 0 : i32
        %dma_start3A_50 = tpu.memref_slice %arg9[%dma_start3A_48, %dma_start3A_49] : memref<10240x128xf32, #tpu.memory_space<vmem_shared>> -> memref<10240x128xf32, #tpu.memory_space<vmem_shared>>
        tpu.enqueue_indirect_dma source(%arg8 : memref<128x128xf32, #tpu.memory_space<vmem>>) target(%dma_start3A_50 : memref<10240x128xf32, #tpu.memory_space<vmem_shared>>) offsets(%arg7 : memref<128xi32, #tpu.memory_space<vmem>>) semaphore(%run_scoped3A : memref<!tpu.dma_semaphore, #tpu.memory_space<semaphore_mem>>) {add = true}
        %dma_wait3A_51 = arith.constant 0 : i32
        %dma_wait3A_52 = arith.constant 0 : i32
        %dma_wait3A_53 = tpu.memref_slice %arg9[%dma_wait3A_51, %dma_wait3A_52] : memref<10240x128xf32, #tpu.memory_space<vmem_shared>> -> memref<10240x128xf32, #tpu.memory_space<vmem_shared>>
        tpu.wait_indirect_dma semaphore(%run_scoped3A : memref<!tpu.dma_semaphore, #tpu.memory_space<semaphore_mem>>) src(%arg8 : memref<128x128xf32, #tpu.memory_space<vmem>>) dst(%dma_wait3A_53 : memref<10240x128xf32, #tpu.memory_space<vmem_shared>>)
        tpu.yield
      }) : () -> ()
    }
    %scan3A_18 = arith.constant 157 : i32
    %barrier3A_19 = arith.constant 0 : index
    tpu.barrier barrier_id(%barrier3A_19)
    %scan3A_20 = arith.constant 0 : i32
    %scan3A_21 = arith.constant 5 : i32
    %scan3A_22 = arith.addi %scan3A_20, %scan3A_21 : i32
    %scan3A_23 = arith.constant 1 : i32
    scf.for %scan3A_25 = %scan3A_20 to %scan3A_22 step %scan3A_23  : i32 {
      %mul3A_26 = arith.constant 1 : i32
      %mul3A_27 = arith.muli %scan3A_25, %mul3A_26 : i32
      %add3A_28 = arith.constant 0 : i32
      %add3A_29 = arith.addi %add3A_28, %mul3A_27 : i32
      %mul3A_30 = arith.constant 128 : i32
      %mul3A_31 = arith.muli %add3A_29, %mul3A_30 : i32
      %add3A_32 = arith.addi %mul3A_0, %mul3A_31 : i32
      "tpu.region"() ({
        %run_scoped3A = tpu.sem_alloc : memref<!tpu.dma_semaphore, #tpu.memory_space<semaphore_mem>>
        %dma_start3A = arith.constant 0 : i32
        %dma_start3A_36 = tpu.memref_slice %arg9[%add3A_32, %dma_start3A] : memref<10240x128xf32, #tpu.memory_space<vmem_shared>> -> memref<128x128xf32, #tpu.memory_space<vmem_shared>>
        %dma_start3A_37 = arith.constant 0 : i32
        %dma_start3A_38 = tpu.memref_slice %arg9[%add3A_32, %dma_start3A_37] : memref<10240x128xf32, #tpu.memory_space<vmem_shared>> -> memref<128x128xf32, #tpu.memory_space<vmem_shared>>
        tpu.enqueue_dma source(%dma_start3A_38 : memref<128x128xf32, #tpu.memory_space<vmem_shared>>) target(%arg8 : memref<128x128xf32, #tpu.memory_space<vmem>>) target_semaphore(%run_scoped3A : memref<!tpu.dma_semaphore, #tpu.memory_space<semaphore_mem>>)
        %dma_wait3A = arith.constant 0 : i32
        %dma_wait3A_39 = tpu.memref_slice %arg9[%add3A_32, %dma_wait3A] : memref<10240x128xf32, #tpu.memory_space<vmem_shared>> -> memref<128x128xf32, #tpu.memory_space<vmem_shared>>
        %dma_wait3A_40 = arith.constant 0 : i32
        %dma_wait3A_41 = tpu.memref_slice %arg9[%add3A_32, %dma_wait3A_40] : memref<10240x128xf32, #tpu.memory_space<vmem_shared>> -> memref<128x128xf32, #tpu.memory_space<vmem_shared>>
        tpu.wait_dma2 semaphore(%run_scoped3A : memref<!tpu.dma_semaphore, #tpu.memory_space<semaphore_mem>>) src(%dma_wait3A_41 : memref<128x128xf32, #tpu.memory_space<vmem_shared>>) dst(%arg8 : memref<128x128xf32, #tpu.memory_space<vmem>>)
        tpu.yield
      }) : () -> ()
      %mul3A_33 = arith.constant 128 : i32
      %mul3A_34 = arith.muli %add3A_29, %mul3A_33 : i32
      %add3A_35 = arith.addi %mul3A_0, %mul3A_34 : i32
      "tpu.region"() ({
        %run_scoped3A = tpu.sem_alloc : memref<!tpu.dma_semaphore, #tpu.memory_space<semaphore_mem>>
        %dma_start3A = arith.constant 0 : i32
        %dma_start3A_36 = tpu.memref_slice %arg5[%arg0, %add3A_35, %dma_start3A] : memref<2x10240x128xf32, #tpu.memory_space<hbm>> -> memref<1x128x128xf32, #tpu.memory_space<hbm>>
        %dma_start3A_37 = tpu.memref_squeeze %dma_start3A_36 : memref<1x128x128xf32, #tpu.memory_space<hbm>> -> memref<128x128xf32, #tpu.memory_space<hbm>>
        %dma_start3A_38 = arith.constant 0 : i32
        %dma_start3A_39 = tpu.memref_slice %arg5[%arg0, %add3A_35, %dma_start3A_38] : memref<2x10240x128xf32, #tpu.memory_space<hbm>> -> memref<1x128x128xf32, #tpu.memory_space<hbm>>
        %dma_start3A_40 = tpu.memref_squeeze %dma_start3A_39 : memref<1x128x128xf32, #tpu.memory_space<hbm>> -> memref<128x128xf32, #tpu.memory_space<hbm>>
        tpu.enqueue_dma source(%arg8 : memref<128x128xf32, #tpu.memory_space<vmem>>) target(%dma_start3A_40 : memref<128x128xf32, #tpu.memory_space<hbm>>) target_semaphore(%run_scoped3A : memref<!tpu.dma_semaphore, #tpu.memory_space<semaphore_mem>>)
        %dma_wait3A = arith.constant 0 : i32
        %dma_wait3A_41 = tpu.memref_slice %arg5[%arg0, %add3A_35, %dma_wait3A] : memref<2x10240x128xf32, #tpu.memory_space<hbm>> -> memref<1x128x128xf32, #tpu.memory_space<hbm>>
        %dma_wait3A_42 = tpu.memref_squeeze %dma_wait3A_41 : memref<1x128x128xf32, #tpu.memory_space<hbm>> -> memref<128x128xf32, #tpu.memory_space<hbm>>
        %dma_wait3A_43 = arith.constant 0 : i32
        %dma_wait3A_44 = tpu.memref_slice %arg5[%arg0, %add3A_35, %dma_wait3A_43] : memref<2x10240x128xf32, #tpu.memory_space<hbm>> -> memref<1x128x128xf32, #tpu.memory_space<hbm>>
        %dma_wait3A_45 = tpu.memref_squeeze %dma_wait3A_44 : memref<1x128x128xf32, #tpu.memory_space<hbm>> -> memref<128x128xf32, #tpu.memory_space<hbm>>
        tpu.wait_dma2 semaphore(%run_scoped3A : memref<!tpu.dma_semaphore, #tpu.memory_space<semaphore_mem>>) src(%arg8 : memref<128x128xf32, #tpu.memory_space<vmem>>) dst(%dma_wait3A_45 : memref<128x128xf32, #tpu.memory_space<hbm>>)
        tpu.yield
      }) : () -> ()
    }
    %scan3A_24 = arith.constant 5 : i32
    return
  }
}

#map = affine_map<(d0, d1) -> (0)>
#map1 = affine_map<(d0, d1) -> (0, 0, 0)>
module attributes {stable_mosaic.version = 14 : i64} {
  func.func @k(%arg0: i32, %arg1: i32, %arg2: memref<643072xi32, #tpu.memory_space<hbm>>, %arg3: memref<2x10240x128xf32, #tpu.memory_space<hbm>>, %arg4: memref<128xi32, #tpu.memory_space<vmem>>, %arg5: memref<128x128xf32, #tpu.memory_space<vmem>>, %arg6: memref<10240x128xf32, #tpu.memory_space<vmem_shared>>) attributes {dimension_semantics = [#tpu.dimension_semantics<core_parallel>, #tpu.dimension_semantics<subcore_parallel>], iteration_bounds = array<i64: 2, 16>, scalar_prefetch = 0 : i64, scratch_operands = 3 : i64, tpu.core_type = #tpu.core_type<sc_vector_subcore>, window_params = [{transform_indices = #map}, {transform_indices = #map1}]} {
    %mul3A = arith.constant 640 : i32
    %mul3A_0 = arith.muli %arg1, %mul3A : i32
    %mul3A_1 = arith.constant 321536 : i32
    %mul3A_2 = arith.muli %arg0, %mul3A_1 : i32
    %mul3A_3 = arith.constant 20096 : i32
    %mul3A_4 = arith.muli %arg1, %mul3A_3 : i32
    %add3A = arith.addi %mul3A_2, %mul3A_4 : i32
    %scan3A = arith.constant 0 : i32
    %scan3A_5 = arith.constant 1024 : i32
    %scan3A_6 = arith.addi %scan3A, %scan3A_5 : i32
    %scan3A_7 = arith.constant 1 : i32
    scf.for %scan3A_30 = %scan3A to %scan3A_6 step %scan3A_7  : i32 {
      %mul3A_31 = arith.constant 1 : i32
      %mul3A_32 = arith.muli %scan3A_30, %mul3A_31 : i32
      %add3A_33 = arith.constant 0 : i32
      %add3A_34 = arith.addi %add3A_33, %mul3A_32 : i32
      %jit3A = arith.constant 8 : i32
      %div3A = arith.divsi %add3A_34, %jit3A : i32
      %sign3A = arith.constant 0 : i32
      %sign3A_35 = arith.cmpi sgt, %add3A_34, %sign3A : i32
      %sign3A_36 = arith.extui %sign3A_35 : i1 to i32
      %sign3A_37 = arith.constant 0 : i32
      %sign3A_38 = arith.cmpi slt, %add3A_34, %sign3A_37 : i32
      %sign3A_39 = arith.extui %sign3A_38 : i1 to i32
      %sign3A_40 = arith.subi %sign3A_36, %sign3A_39 : i32
      %sign3A_41 = arith.constant 0 : i32
      %sign3A_42 = arith.cmpi sgt, %jit3A, %sign3A_41 : i32
      %sign3A_43 = arith.extui %sign3A_42 : i1 to i32
      %sign3A_44 = arith.constant 0 : i32
      %sign3A_45 = arith.cmpi slt, %jit3A, %sign3A_44 : i32
      %sign3A_46 = arith.extui %sign3A_45 : i1 to i32
      %sign3A_47 = arith.subi %sign3A_43, %sign3A_46 : i32
      %ne3A = arith.cmpi ne, %sign3A_40, %sign3A_47 : i32
      %rem3A = arith.remsi %add3A_34, %jit3A : i32
      %ne3A_48 = arith.constant 0 : i32
      %ne3A_49 = arith.cmpi ne, %rem3A, %ne3A_48 : i32
      %and3A = arith.andi %ne3A, %ne3A_49 : i1
      %sub3A = arith.constant 1 : i32
      %sub3A_50 = arith.subi %div3A, %sub3A : i32
      %select_n3A = arith.select %and3A, %sub3A_50, %div3A : i32
      %mul3A_51 = arith.constant 8 : i32
      %mul3A_52 = arith.muli %select_n3A, %mul3A_51 : i32
      %sub3A_53 = arith.subi %add3A_34, %mul3A_52 : i32
      %broadcast_in_dim3A = arith.constant 0.000000e+00 : f32
      %broadcast_in_dim3A_54 = vector.broadcast %broadcast_in_dim3A : f32 to vector<16xf32>
      %mul3A_55 = arith.constant 16 : i32
      %mul3A_56 = arith.muli %sub3A_53, %mul3A_55 : i32
      %swap3A = arith.index_cast %select_n3A : i32 to index
      %swap3A_57 = arith.index_cast %mul3A_56 : i32 to index
      %swap3A_58 = tpu.vector_load %arg5[%swap3A, %swap3A_57] {strides = array<i32>} : memref<128x128xf32, #tpu.memory_space<vmem>>, vector<1x16xf32>,
      %swap3A_59 = vector.shape_cast %swap3A_58 : vector<1x16xf32> to vector<16xf32>
      %swap3A_60 = vector.shape_cast %broadcast_in_dim3A_54 : vector<16xf32> to vector<1x16xf32>
      tpu.vector_store %arg5[%swap3A, %swap3A_57], %swap3A_60 {strides = array<i32>} : memref<128x128xf32, #tpu.memory_space<vmem>>, vector<1x16xf32>,
    }
    %scan3A_8 = arith.constant 1024 : i32
    %scan3A_9 = arith.constant 0 : i32
    %scan3A_10 = arith.constant 5 : i32
    %scan3A_11 = arith.addi %scan3A_9, %scan3A_10 : i32
    %scan3A_12 = arith.constant 1 : i32
    scf.for %scan3A_30 = %scan3A_9 to %scan3A_11 step %scan3A_12  : i32 {
      %mul3A_31 = arith.constant 1 : i32
      %mul3A_32 = arith.muli %scan3A_30, %mul3A_31 : i32
      %add3A_33 = arith.constant 0 : i32
      %add3A_34 = arith.addi %add3A_33, %mul3A_32 : i32
      %mul3A_35 = arith.constant 128 : i32
      %mul3A_36 = arith.muli %add3A_34, %mul3A_35 : i32
      %add3A_37 = arith.addi %mul3A_0, %mul3A_36 : i32
      "tpu.region"() ({
        %run_scoped3A = tpu.sem_alloc : memref<!tpu.dma_semaphore, #tpu.memory_space<semaphore_mem>>
        %dma_start3A = arith.constant 0 : i32
        %dma_start3A_38 = tpu.memref_slice %arg6[%add3A_37, %dma_start3A] : memref<10240x128xf32, #tpu.memory_space<vmem_shared>> -> memref<128x128xf32, #tpu.memory_space<vmem_shared>>
        %dma_start3A_39 = arith.constant 0 : i32
        %dma_start3A_40 = tpu.memref_slice %arg6[%add3A_37, %dma_start3A_39] : memref<10240x128xf32, #tpu.memory_space<vmem_shared>> -> memref<128x128xf32, #tpu.memory_space<vmem_shared>>
        tpu.enqueue_dma source(%arg5 : memref<128x128xf32, #tpu.memory_space<vmem>>) target(%dma_start3A_40 : memref<128x128xf32, #tpu.memory_space<vmem_shared>>) target_semaphore(%run_scoped3A : memref<!tpu.dma_semaphore, #tpu.memory_space<semaphore_mem>>)
        %dma_wait3A = arith.constant 0 : i32
        %dma_wait3A_41 = tpu.memref_slice %arg6[%add3A_37, %dma_wait3A] : memref<10240x128xf32, #tpu.memory_space<vmem_shared>> -> memref<128x128xf32, #tpu.memory_space<vmem_shared>>
        %dma_wait3A_42 = arith.constant 0 : i32
        %dma_wait3A_43 = tpu.memref_slice %arg6[%add3A_37, %dma_wait3A_42] : memref<10240x128xf32, #tpu.memory_space<vmem_shared>> -> memref<128x128xf32, #tpu.memory_space<vmem_shared>>
        tpu.wait_dma2 semaphore(%run_scoped3A : memref<!tpu.dma_semaphore, #tpu.memory_space<semaphore_mem>>) src(%arg5 : memref<128x128xf32, #tpu.memory_space<vmem>>) dst(%dma_wait3A_43 : memref<128x128xf32, #tpu.memory_space<vmem_shared>>)
        tpu.yield
      }) : () -> ()
    }
    %scan3A_13 = arith.constant 5 : i32
    %scan3A_14 = arith.constant 0 : i32
    %scan3A_15 = arith.constant 1024 : i32
    %scan3A_16 = arith.addi %scan3A_14, %scan3A_15 : i32
    %scan3A_17 = arith.constant 1 : i32
    scf.for %scan3A_30 = %scan3A_14 to %scan3A_16 step %scan3A_17  : i32 {
      %mul3A_31 = arith.constant 1 : i32
      %mul3A_32 = arith.muli %scan3A_30, %mul3A_31 : i32
      %add3A_33 = arith.constant 0 : i32
      %add3A_34 = arith.addi %add3A_33, %mul3A_32 : i32
      %jit3A = arith.constant 8 : i32
      %div3A = arith.divsi %add3A_34, %jit3A : i32
      %sign3A = arith.constant 0 : i32
      %sign3A_35 = arith.cmpi sgt, %add3A_34, %sign3A : i32
      %sign3A_36 = arith.extui %sign3A_35 : i1 to i32
      %sign3A_37 = arith.constant 0 : i32
      %sign3A_38 = arith.cmpi slt, %add3A_34, %sign3A_37 : i32
      %sign3A_39 = arith.extui %sign3A_38 : i1 to i32
      %sign3A_40 = arith.subi %sign3A_36, %sign3A_39 : i32
      %sign3A_41 = arith.constant 0 : i32
      %sign3A_42 = arith.cmpi sgt, %jit3A, %sign3A_41 : i32
      %sign3A_43 = arith.extui %sign3A_42 : i1 to i32
      %sign3A_44 = arith.constant 0 : i32
      %sign3A_45 = arith.cmpi slt, %jit3A, %sign3A_44 : i32
      %sign3A_46 = arith.extui %sign3A_45 : i1 to i32
      %sign3A_47 = arith.subi %sign3A_43, %sign3A_46 : i32
      %ne3A = arith.cmpi ne, %sign3A_40, %sign3A_47 : i32
      %rem3A = arith.remsi %add3A_34, %jit3A : i32
      %ne3A_48 = arith.constant 0 : i32
      %ne3A_49 = arith.cmpi ne, %rem3A, %ne3A_48 : i32
      %and3A = arith.andi %ne3A, %ne3A_49 : i1
      %sub3A = arith.constant 1 : i32
      %sub3A_50 = arith.subi %div3A, %sub3A : i32
      %select_n3A = arith.select %and3A, %sub3A_50, %div3A : i32
      %mul3A_51 = arith.constant 8 : i32
      %mul3A_52 = arith.muli %select_n3A, %mul3A_51 : i32
      %sub3A_53 = arith.subi %add3A_34, %mul3A_52 : i32
      %broadcast_in_dim3A = arith.constant 1.000000e+00 : f32
      %broadcast_in_dim3A_54 = vector.broadcast %broadcast_in_dim3A : f32 to vector<16xf32>
      %mul3A_55 = arith.constant 16 : i32
      %mul3A_56 = arith.muli %sub3A_53, %mul3A_55 : i32
      %swap3A = arith.index_cast %select_n3A : i32 to index
      %swap3A_57 = arith.index_cast %mul3A_56 : i32 to index
      %swap3A_58 = tpu.vector_load %arg5[%swap3A, %swap3A_57] {strides = array<i32>} : memref<128x128xf32, #tpu.memory_space<vmem>>, vector<1x16xf32>,
      %swap3A_59 = vector.shape_cast %swap3A_58 : vector<1x16xf32> to vector<16xf32>
      %swap3A_60 = vector.shape_cast %broadcast_in_dim3A_54 : vector<16xf32> to vector<1x16xf32>
      tpu.vector_store %arg5[%swap3A, %swap3A_57], %swap3A_60 {strides = array<i32>} : memref<128x128xf32, #tpu.memory_space<vmem>>, vector<1x16xf32>,
    }
    %scan3A_18 = arith.constant 1024 : i32
    %barrier3A = arith.constant 0 : index
    tpu.barrier barrier_id(%barrier3A)
    %scan3A_19 = arith.constant 0 : i32
    %scan3A_20 = arith.constant 157 : i32
    %scan3A_21 = arith.addi %scan3A_19, %scan3A_20 : i32
    %scan3A_22 = arith.constant 1 : i32
    scf.for %scan3A_30 = %scan3A_19 to %scan3A_21 step %scan3A_22  : i32 {
      %mul3A_31 = arith.constant 1 : i32
      %mul3A_32 = arith.muli %scan3A_30, %mul3A_31 : i32
      %add3A_33 = arith.constant 0 : i32
      %add3A_34 = arith.addi %add3A_33, %mul3A_32 : i32
      %mul3A_35 = arith.constant 128 : i32
      %mul3A_36 = arith.muli %add3A_34, %mul3A_35 : i32
      %add3A_37 = arith.addi %add3A, %mul3A_36 : i32
      "tpu.region"() ({
        %run_scoped3A = tpu.sem_alloc : memref<!tpu.dma_semaphore, #tpu.memory_space<semaphore_mem>>
        %dma_start3A = tpu.memref_slice %arg2[%add3A_37] : memref<643072xi32, #tpu.memory_space<hbm>> -> memref<128xi32, #tpu.memory_space<hbm>>
        %dma_start3A_38 = tpu.memref_slice %arg2[%add3A_37] : memref<643072xi32, #tpu.memory_space<hbm>> -> memref<128xi32, #tpu.memory_space<hbm>>
        tpu.enqueue_dma source(%dma_start3A_38 : memref<128xi32, #tpu.memory_space<hbm>>) target(%arg4 : memref<128xi32, #tpu.memory_space<vmem>>) target_semaphore(%run_scoped3A : memref<!tpu.dma_semaphore, #tpu.memory_space<semaphore_mem>>)
        %dma_wait3A = tpu.memref_slice %arg2[%add3A_37] : memref<643072xi32, #tpu.memory_space<hbm>> -> memref<128xi32, #tpu.memory_space<hbm>>
        %dma_wait3A_39 = tpu.memref_slice %arg2[%add3A_37] : memref<643072xi32, #tpu.memory_space<hbm>> -> memref<128xi32, #tpu.memory_space<hbm>>
        tpu.wait_dma2 semaphore(%run_scoped3A : memref<!tpu.dma_semaphore, #tpu.memory_space<semaphore_mem>>) src(%dma_wait3A_39 : memref<128xi32, #tpu.memory_space<hbm>>) dst(%arg4 : memref<128xi32, #tpu.memory_space<vmem>>)
        tpu.yield
      }) : () -> ()
      "tpu.region"() ({
        %run_scoped3A = tpu.sem_alloc : memref<!tpu.dma_semaphore, #tpu.memory_space<semaphore_mem>>
        %dma_start3A = arith.constant 0 : i32
        %dma_start3A_38 = arith.constant 0 : i32
        %dma_start3A_39 = tpu.memref_slice %arg6[%dma_start3A, %dma_start3A_38] : memref<10240x128xf32, #tpu.memory_space<vmem_shared>> -> memref<10240x128xf32, #tpu.memory_space<vmem_shared>>
        tpu.enqueue_indirect_dma source(%arg5 : memref<128x128xf32, #tpu.memory_space<vmem>>) target(%dma_start3A_39 : memref<10240x128xf32, #tpu.memory_space<vmem_shared>>) offsets(%arg4 : memref<128xi32, #tpu.memory_space<vmem>>) semaphore(%run_scoped3A : memref<!tpu.dma_semaphore, #tpu.memory_space<semaphore_mem>>) {add = true}
        %dma_wait3A = arith.constant 0 : i32
        %dma_wait3A_40 = arith.constant 0 : i32
        %dma_wait3A_41 = tpu.memref_slice %arg6[%dma_wait3A, %dma_wait3A_40] : memref<10240x128xf32, #tpu.memory_space<vmem_shared>> -> memref<10240x128xf32, #tpu.memory_space<vmem_shared>>
        tpu.wait_indirect_dma semaphore(%run_scoped3A : memref<!tpu.dma_semaphore, #tpu.memory_space<semaphore_mem>>) src(%arg5 : memref<128x128xf32, #tpu.memory_space<vmem>>) dst(%dma_wait3A_41 : memref<10240x128xf32, #tpu.memory_space<vmem_shared>>)
        tpu.yield
      }) : () -> ()
    }
    %scan3A_23 = arith.constant 157 : i32
    %barrier3A_24 = arith.constant 0 : index
    tpu.barrier barrier_id(%barrier3A_24)
    %scan3A_25 = arith.constant 0 : i32
    %scan3A_26 = arith.constant 5 : i32
    %scan3A_27 = arith.addi %scan3A_25, %scan3A_26 : i32
    %scan3A_28 = arith.constant 1 : i32
    scf.for %scan3A_30 = %scan3A_25 to %scan3A_27 step %scan3A_28  : i32 {
      %mul3A_31 = arith.constant 1 : i32
      %mul3A_32 = arith.muli %scan3A_30, %mul3A_31 : i32
      %add3A_33 = arith.constant 0 : i32
      %add3A_34 = arith.addi %add3A_33, %mul3A_32 : i32
      %mul3A_35 = arith.constant 128 : i32
      %mul3A_36 = arith.muli %add3A_34, %mul3A_35 : i32
      %add3A_37 = arith.addi %mul3A_0, %mul3A_36 : i32
      "tpu.region"() ({
        %run_scoped3A = tpu.sem_alloc : memref<!tpu.dma_semaphore, #tpu.memory_space<semaphore_mem>>
        %dma_start3A = arith.constant 0 : i32
        %dma_start3A_41 = tpu.memref_slice %arg6[%add3A_37, %dma_start3A] : memref<10240x128xf32, #tpu.memory_space<vmem_shared>> -> memref<128x128xf32, #tpu.memory_space<vmem_shared>>
        %dma_start3A_42 = arith.constant 0 : i32
        %dma_start3A_43 = tpu.memref_slice %arg6[%add3A_37, %dma_start3A_42] : memref<10240x128xf32, #tpu.memory_space<vmem_shared>> -> memref<128x128xf32, #tpu.memory_space<vmem_shared>>
        tpu.enqueue_dma source(%dma_start3A_43 : memref<128x128xf32, #tpu.memory_space<vmem_shared>>) target(%arg5 : memref<128x128xf32, #tpu.memory_space<vmem>>) target_semaphore(%run_scoped3A : memref<!tpu.dma_semaphore, #tpu.memory_space<semaphore_mem>>)
        %dma_wait3A = arith.constant 0 : i32
        %dma_wait3A_44 = tpu.memref_slice %arg6[%add3A_37, %dma_wait3A] : memref<10240x128xf32, #tpu.memory_space<vmem_shared>> -> memref<128x128xf32, #tpu.memory_space<vmem_shared>>
        %dma_wait3A_45 = arith.constant 0 : i32
        %dma_wait3A_46 = tpu.memref_slice %arg6[%add3A_37, %dma_wait3A_45] : memref<10240x128xf32, #tpu.memory_space<vmem_shared>> -> memref<128x128xf32, #tpu.memory_space<vmem_shared>>
        tpu.wait_dma2 semaphore(%run_scoped3A : memref<!tpu.dma_semaphore, #tpu.memory_space<semaphore_mem>>) src(%dma_wait3A_46 : memref<128x128xf32, #tpu.memory_space<vmem_shared>>) dst(%arg5 : memref<128x128xf32, #tpu.memory_space<vmem>>)
        tpu.yield
      }) : () -> ()
      %mul3A_38 = arith.constant 128 : i32
      %mul3A_39 = arith.muli %add3A_34, %mul3A_38 : i32
      %add3A_40 = arith.addi %mul3A_0, %mul3A_39 : i32
      "tpu.region"() ({
        %run_scoped3A = tpu.sem_alloc : memref<!tpu.dma_semaphore, #tpu.memory_space<semaphore_mem>>
        %dma_start3A = arith.constant 0 : i32
        %dma_start3A_41 = tpu.memref_slice %arg3[%arg0, %add3A_40, %dma_start3A] : memref<2x10240x128xf32, #tpu.memory_space<hbm>> -> memref<1x128x128xf32, #tpu.memory_space<hbm>>
        %dma_start3A_42 = tpu.memref_squeeze %dma_start3A_41 : memref<1x128x128xf32, #tpu.memory_space<hbm>> -> memref<128x128xf32, #tpu.memory_space<hbm>>
        %dma_start3A_43 = arith.constant 0 : i32
        %dma_start3A_44 = tpu.memref_slice %arg3[%arg0, %add3A_40, %dma_start3A_43] : memref<2x10240x128xf32, #tpu.memory_space<hbm>> -> memref<1x128x128xf32, #tpu.memory_space<hbm>>
        %dma_start3A_45 = tpu.memref_squeeze %dma_start3A_44 : memref<1x128x128xf32, #tpu.memory_space<hbm>> -> memref<128x128xf32, #tpu.memory_space<hbm>>
        tpu.enqueue_dma source(%arg5 : memref<128x128xf32, #tpu.memory_space<vmem>>) target(%dma_start3A_45 : memref<128x128xf32, #tpu.memory_space<hbm>>) target_semaphore(%run_scoped3A : memref<!tpu.dma_semaphore, #tpu.memory_space<semaphore_mem>>)
        %dma_wait3A = arith.constant 0 : i32
        %dma_wait3A_46 = tpu.memref_slice %arg3[%arg0, %add3A_40, %dma_wait3A] : memref<2x10240x128xf32, #tpu.memory_space<hbm>> -> memref<1x128x128xf32, #tpu.memory_space<hbm>>
        %dma_wait3A_47 = tpu.memref_squeeze %dma_wait3A_46 : memref<1x128x128xf32, #tpu.memory_space<hbm>> -> memref<128x128xf32, #tpu.memory_space<hbm>>
        %dma_wait3A_48 = arith.constant 0 : i32
        %dma_wait3A_49 = tpu.memref_slice %arg3[%arg0, %add3A_40, %dma_wait3A_48] : memref<2x10240x128xf32, #tpu.memory_space<hbm>> -> memref<1x128x128xf32, #tpu.memory_space<hbm>>
        %dma_wait3A_50 = tpu.memref_squeeze %dma_wait3A_49 : memref<1x128x128xf32, #tpu.memory_space<hbm>> -> memref<128x128xf32, #tpu.memory_space<hbm>>
        tpu.wait_dma2 semaphore(%run_scoped3A : memref<!tpu.dma_semaphore, #tpu.memory_space<semaphore_mem>>) src(%arg5 : memref<128x128xf32, #tpu.memory_space<vmem>>) dst(%dma_wait3A_50 : memref<128x128xf32, #tpu.memory_space<hbm>>)
        tpu.yield
      }) : () -> ()
    }
    %scan3A_29 = arith.constant 5 : i32
    return
  }
}

#map = affine_map<(d0, d1) -> (0, 0, 0)>
#map1 = affine_map<(d0, d1) -> (0)>
module attributes {stable_mosaic.version = 14 : i64} {
  func.func @k(%arg0: i32, %arg1: i32, %arg2: memref<2x10240x128xf32, #tpu.memory_space<hbm>>, %arg3: memref<9216xi32, #tpu.memory_space<hbm>>, %arg4: memref<2x4608x128xf32, #tpu.memory_space<hbm>>, %arg5: memref<96xi32, #tpu.memory_space<vmem>>, %arg6: memref<96x128xf32, #tpu.memory_space<vmem>>, %arg7: memref<!tpu.dma_semaphore, #tpu.memory_space<semaphore_mem>>) attributes {dimension_semantics = [#tpu.dimension_semantics<core_parallel>, #tpu.dimension_semantics<subcore_parallel>], iteration_bounds = array<i64: 2, 16>, scalar_prefetch = 0 : i64, scratch_operands = 3 : i64, tpu.core_type = #tpu.core_type<sc_vector_subcore>, window_params = [{transform_indices = #map}, {transform_indices = #map1}, {transform_indices = #map}]} {
    %scan3A = arith.constant 0 : i32
    %scan3A_0 = arith.constant 3 : i32
    %scan3A_1 = arith.addi %scan3A, %scan3A_0 : i32
    %scan3A_2 = arith.constant 1 : i32
    scf.for %scan3A_4 = %scan3A to %scan3A_1 step %scan3A_2  : i32 {
      %mul3A = arith.constant 1 : i32
      %mul3A_5 = arith.muli %scan3A_4, %mul3A : i32
      %add3A = arith.constant 0 : i32
      %add3A_6 = arith.addi %add3A, %mul3A_5 : i32
      %mul3A_7 = arith.constant 288 : i32
      %mul3A_8 = arith.muli %arg1, %mul3A_7 : i32
      %mul3A_9 = arith.constant 96 : i32
      %mul3A_10 = arith.muli %add3A_6, %mul3A_9 : i32
      %add3A_11 = arith.addi %mul3A_8, %mul3A_10 : i32
      %mul3A_12 = arith.constant 4608 : i32
      %mul3A_13 = arith.muli %arg0, %mul3A_12 : i32
      %add3A_14 = arith.addi %mul3A_13, %add3A_11 : i32
      "tpu.region"() ({
        %run_scoped3A = tpu.sem_alloc : memref<!tpu.dma_semaphore, #tpu.memory_space<semaphore_mem>>
        %dma_start3A_27 = tpu.memref_slice %arg3[%add3A_14] : memref<9216xi32, #tpu.memory_space<hbm>> -> memref<96xi32, #tpu.memory_space<hbm>>
        %dma_start3A_28 = tpu.memref_slice %arg3[%add3A_14] : memref<9216xi32, #tpu.memory_space<hbm>> -> memref<96xi32, #tpu.memory_space<hbm>>
        tpu.enqueue_dma source(%dma_start3A_28 : memref<96xi32, #tpu.memory_space<hbm>>) target(%arg5 : memref<96xi32, #tpu.memory_space<vmem>>) target_semaphore(%run_scoped3A : memref<!tpu.dma_semaphore, #tpu.memory_space<semaphore_mem>>)
        %dma_wait3A_29 = tpu.memref_slice %arg3[%add3A_14] : memref<9216xi32, #tpu.memory_space<hbm>> -> memref<96xi32, #tpu.memory_space<hbm>>
        %dma_wait3A_30 = tpu.memref_slice %arg3[%add3A_14] : memref<9216xi32, #tpu.memory_space<hbm>> -> memref<96xi32, #tpu.memory_space<hbm>>
        tpu.wait_dma2 semaphore(%run_scoped3A : memref<!tpu.dma_semaphore, #tpu.memory_space<semaphore_mem>>) src(%dma_wait3A_30 : memref<96xi32, #tpu.memory_space<hbm>>) dst(%arg5 : memref<96xi32, #tpu.memory_space<vmem>>)
        tpu.yield
      }) : () -> ()
      %dma_start3A = arith.constant 0 : i32
      %dma_start3A_15 = arith.constant 0 : i32
      %dma_start3A_16 = tpu.memref_slice %arg2[%arg0, %dma_start3A, %dma_start3A_15] : memref<2x10240x128xf32, #tpu.memory_space<hbm>> -> memref<1x10240x128xf32, #tpu.memory_space<hbm>>
      %dma_start3A_17 = tpu.memref_squeeze %dma_start3A_16 : memref<1x10240x128xf32, #tpu.memory_space<hbm>> -> memref<10240x128xf32, #tpu.memory_space<hbm>>
      %dma_start3A_18 = arith.constant 0 : i32
      %dma_start3A_19 = arith.constant 0 : i32
      %dma_start3A_20 = tpu.memref_slice %dma_start3A_17[%dma_start3A_18, %dma_start3A_19] : memref<10240x128xf32, #tpu.memory_space<hbm>> -> memref<10240x128xf32, #tpu.memory_space<hbm>>
      tpu.enqueue_indirect_dma source(%dma_start3A_20 : memref<10240x128xf32, #tpu.memory_space<hbm>>) target(%arg6 : memref<96x128xf32, #tpu.memory_space<vmem>>) offsets(%arg5 : memref<96xi32, #tpu.memory_space<vmem>>) semaphore(%arg7 : memref<!tpu.dma_semaphore, #tpu.memory_space<semaphore_mem>>)
      %dma_wait3A = arith.constant 0 : i32
      %dma_wait3A_21 = arith.constant 0 : i32
      %dma_wait3A_22 = tpu.memref_slice %arg2[%arg0, %dma_wait3A, %dma_wait3A_21] : memref<2x10240x128xf32, #tpu.memory_space<hbm>> -> memref<1x10240x128xf32, #tpu.memory_space<hbm>>
      %dma_wait3A_23 = tpu.memref_squeeze %dma_wait3A_22 : memref<1x10240x128xf32, #tpu.memory_space<hbm>> -> memref<10240x128xf32, #tpu.memory_space<hbm>>
      %dma_wait3A_24 = arith.constant 0 : i32
      %dma_wait3A_25 = arith.constant 0 : i32
      %dma_wait3A_26 = tpu.memref_slice %dma_wait3A_23[%dma_wait3A_24, %dma_wait3A_25] : memref<10240x128xf32, #tpu.memory_space<hbm>> -> memref<10240x128xf32, #tpu.memory_space<hbm>>
      tpu.wait_indirect_dma semaphore(%arg7 : memref<!tpu.dma_semaphore, #tpu.memory_space<semaphore_mem>>) src(%dma_wait3A_26 : memref<10240x128xf32, #tpu.memory_space<hbm>>) dst(%arg6 : memref<96x128xf32, #tpu.memory_space<vmem>>)
      "tpu.region"() ({
        %run_scoped3A = tpu.sem_alloc : memref<!tpu.dma_semaphore, #tpu.memory_space<semaphore_mem>>
        %dma_start3A_27 = arith.constant 0 : i32
        %dma_start3A_28 = tpu.memref_slice %arg4[%arg0, %add3A_11, %dma_start3A_27] : memref<2x4608x128xf32, #tpu.memory_space<hbm>> -> memref<1x96x128xf32, #tpu.memory_space<hbm>>
        %dma_start3A_29 = tpu.memref_squeeze %dma_start3A_28 : memref<1x96x128xf32, #tpu.memory_space<hbm>> -> memref<96x128xf32, #tpu.memory_space<hbm>>
        %dma_start3A_30 = arith.constant 0 : i32
        %dma_start3A_31 = tpu.memref_slice %arg4[%arg0, %add3A_11, %dma_start3A_30] : memref<2x4608x128xf32, #tpu.memory_space<hbm>> -> memref<1x96x128xf32, #tpu.memory_space<hbm>>
        %dma_start3A_32 = tpu.memref_squeeze %dma_start3A_31 : memref<1x96x128xf32, #tpu.memory_space<hbm>> -> memref<96x128xf32, #tpu.memory_space<hbm>>
        tpu.enqueue_dma source(%arg6 : memref<96x128xf32, #tpu.memory_space<vmem>>) target(%dma_start3A_32 : memref<96x128xf32, #tpu.memory_space<hbm>>) target_semaphore(%run_scoped3A : memref<!tpu.dma_semaphore, #tpu.memory_space<semaphore_mem>>)
        %dma_wait3A_33 = arith.constant 0 : i32
        %dma_wait3A_34 = tpu.memref_slice %arg4[%arg0, %add3A_11, %dma_wait3A_33] : memref<2x4608x128xf32, #tpu.memory_space<hbm>> -> memref<1x96x128xf32, #tpu.memory_space<hbm>>
        %dma_wait3A_35 = tpu.memref_squeeze %dma_wait3A_34 : memref<1x96x128xf32, #tpu.memory_space<hbm>> -> memref<96x128xf32, #tpu.memory_space<hbm>>
        %dma_wait3A_36 = arith.constant 0 : i32
        %dma_wait3A_37 = tpu.memref_slice %arg4[%arg0, %add3A_11, %dma_wait3A_36] : memref<2x4608x128xf32, #tpu.memory_space<hbm>> -> memref<1x96x128xf32, #tpu.memory_space<hbm>>
        %dma_wait3A_38 = tpu.memref_squeeze %dma_wait3A_37 : memref<1x96x128xf32, #tpu.memory_space<hbm>> -> memref<96x128xf32, #tpu.memory_space<hbm>>
        tpu.wait_dma2 semaphore(%run_scoped3A : memref<!tpu.dma_semaphore, #tpu.memory_space<semaphore_mem>>) src(%arg6 : memref<96x128xf32, #tpu.memory_space<vmem>>) dst(%dma_wait3A_38 : memref<96x128xf32, #tpu.memory_space<hbm>>)
        tpu.yield
      }) : () -> ()
    }
    %scan3A_3 = arith.constant 3 : i32
    return
  }
}

#map = affine_map<(d0, d1) -> (0, 0, 0)>
#map1 = affine_map<(d0, d1) -> (0)>
module attributes {stable_mosaic.version = 14 : i64} {
  func.func @k(%arg0: i32, %arg1: i32, %arg2: memref<2x10240x128xf32, #tpu.memory_space<hbm>>, %arg3: memref<643072xi32, #tpu.memory_space<hbm>>, %arg4: memref<643072xi32, #tpu.memory_space<hbm>>, %arg5: memref<2x10240x128xf32, #tpu.memory_space<hbm>>, %arg6: memref<128xi32, #tpu.memory_space<vmem>>, %arg7: memref<128xi32, #tpu.memory_space<vmem>>, %arg8: memref<128x128xf32, #tpu.memory_space<vmem>>, %arg9: memref<10240x128xf32, #tpu.memory_space<vmem_shared>>, %arg10: memref<!tpu.dma_semaphore, #tpu.memory_space<semaphore_mem>>) attributes {dimension_semantics = [#tpu.dimension_semantics<core_parallel>, #tpu.dimension_semantics<subcore_parallel>], iteration_bounds = array<i64: 2, 16>, scalar_prefetch = 0 : i64, scratch_operands = 5 : i64, tpu.core_type = #tpu.core_type<sc_vector_subcore>, window_params = [{transform_indices = #map}, {transform_indices = #map1}, {transform_indices = #map1}, {transform_indices = #map}]} {
    %mul3A = arith.constant 640 : i32
    %mul3A_0 = arith.muli %arg1, %mul3A : i32
    %mul3A_1 = arith.constant 321536 : i32
    %mul3A_2 = arith.muli %arg0, %mul3A_1 : i32
    %mul3A_3 = arith.constant 20096 : i32
    %mul3A_4 = arith.muli %arg1, %mul3A_3 : i32
    %add3A = arith.addi %mul3A_2, %mul3A_4 : i32
    %scan3A = arith.constant 0 : i32
    %scan3A_5 = arith.constant 1024 : i32
    %scan3A_6 = arith.addi %scan3A, %scan3A_5 : i32
    %scan3A_7 = arith.constant 1 : i32
    scf.for %scan3A_25 = %scan3A to %scan3A_6 step %scan3A_7  : i32 {
      %mul3A_26 = arith.constant 1 : i32
      %mul3A_27 = arith.muli %scan3A_25, %mul3A_26 : i32
      %add3A_28 = arith.constant 0 : i32
      %add3A_29 = arith.addi %add3A_28, %mul3A_27 : i32
      %jit3A = arith.constant 8 : i32
      %div3A = arith.divsi %add3A_29, %jit3A : i32
      %sign3A = arith.constant 0 : i32
      %sign3A_30 = arith.cmpi sgt, %add3A_29, %sign3A : i32
      %sign3A_31 = arith.extui %sign3A_30 : i1 to i32
      %sign3A_32 = arith.constant 0 : i32
      %sign3A_33 = arith.cmpi slt, %add3A_29, %sign3A_32 : i32
      %sign3A_34 = arith.extui %sign3A_33 : i1 to i32
      %sign3A_35 = arith.subi %sign3A_31, %sign3A_34 : i32
      %sign3A_36 = arith.constant 0 : i32
      %sign3A_37 = arith.cmpi sgt, %jit3A, %sign3A_36 : i32
      %sign3A_38 = arith.extui %sign3A_37 : i1 to i32
      %sign3A_39 = arith.constant 0 : i32
      %sign3A_40 = arith.cmpi slt, %jit3A, %sign3A_39 : i32
      %sign3A_41 = arith.extui %sign3A_40 : i1 to i32
      %sign3A_42 = arith.subi %sign3A_38, %sign3A_41 : i32
      %ne3A = arith.cmpi ne, %sign3A_35, %sign3A_42 : i32
      %rem3A = arith.remsi %add3A_29, %jit3A : i32
      %ne3A_43 = arith.constant 0 : i32
      %ne3A_44 = arith.cmpi ne, %rem3A, %ne3A_43 : i32
      %and3A = arith.andi %ne3A, %ne3A_44 : i1
      %sub3A = arith.constant 1 : i32
      %sub3A_45 = arith.subi %div3A, %sub3A : i32
      %select_n3A = arith.select %and3A, %sub3A_45, %div3A : i32
      %mul3A_46 = arith.constant 8 : i32
      %mul3A_47 = arith.muli %select_n3A, %mul3A_46 : i32
      %sub3A_48 = arith.subi %add3A_29, %mul3A_47 : i32
      %broadcast_in_dim3A = arith.constant 0.000000e+00 : f32
      %broadcast_in_dim3A_49 = vector.broadcast %broadcast_in_dim3A : f32 to vector<16xf32>
      %mul3A_50 = arith.constant 16 : i32
      %mul3A_51 = arith.muli %sub3A_48, %mul3A_50 : i32
      %swap3A = arith.index_cast %select_n3A : i32 to index
      %swap3A_52 = arith.index_cast %mul3A_51 : i32 to index
      %swap3A_53 = tpu.vector_load %arg8[%swap3A, %swap3A_52] {strides = array<i32>} : memref<128x128xf32, #tpu.memory_space<vmem>>, vector<1x16xf32>,
      %swap3A_54 = vector.shape_cast %swap3A_53 : vector<1x16xf32> to vector<16xf32>
      %swap3A_55 = vector.shape_cast %broadcast_in_dim3A_49 : vector<16xf32> to vector<1x16xf32>
      tpu.vector_store %arg8[%swap3A, %swap3A_52], %swap3A_55 {strides = array<i32>} : memref<128x128xf32, #tpu.memory_space<vmem>>, vector<1x16xf32>,
    }
    %scan3A_8 = arith.constant 1024 : i32
    %scan3A_9 = arith.constant 0 : i32
    %scan3A_10 = arith.constant 5 : i32
    %scan3A_11 = arith.addi %scan3A_9, %scan3A_10 : i32
    %scan3A_12 = arith.constant 1 : i32
    scf.for %scan3A_25 = %scan3A_9 to %scan3A_11 step %scan3A_12  : i32 {
      %mul3A_26 = arith.constant 1 : i32
      %mul3A_27 = arith.muli %scan3A_25, %mul3A_26 : i32
      %add3A_28 = arith.constant 0 : i32
      %add3A_29 = arith.addi %add3A_28, %mul3A_27 : i32
      %mul3A_30 = arith.constant 128 : i32
      %mul3A_31 = arith.muli %add3A_29, %mul3A_30 : i32
      %add3A_32 = arith.addi %mul3A_0, %mul3A_31 : i32
      "tpu.region"() ({
        %run_scoped3A = tpu.sem_alloc : memref<!tpu.dma_semaphore, #tpu.memory_space<semaphore_mem>>
        %dma_start3A = arith.constant 0 : i32
        %dma_start3A_33 = tpu.memref_slice %arg9[%add3A_32, %dma_start3A] : memref<10240x128xf32, #tpu.memory_space<vmem_shared>> -> memref<128x128xf32, #tpu.memory_space<vmem_shared>>
        %dma_start3A_34 = arith.constant 0 : i32
        %dma_start3A_35 = tpu.memref_slice %arg9[%add3A_32, %dma_start3A_34] : memref<10240x128xf32, #tpu.memory_space<vmem_shared>> -> memref<128x128xf32, #tpu.memory_space<vmem_shared>>
        tpu.enqueue_dma source(%arg8 : memref<128x128xf32, #tpu.memory_space<vmem>>) target(%dma_start3A_35 : memref<128x128xf32, #tpu.memory_space<vmem_shared>>) target_semaphore(%run_scoped3A : memref<!tpu.dma_semaphore, #tpu.memory_space<semaphore_mem>>)
        %dma_wait3A = arith.constant 0 : i32
        %dma_wait3A_36 = tpu.memref_slice %arg9[%add3A_32, %dma_wait3A] : memref<10240x128xf32, #tpu.memory_space<vmem_shared>> -> memref<128x128xf32, #tpu.memory_space<vmem_shared>>
        %dma_wait3A_37 = arith.constant 0 : i32
        %dma_wait3A_38 = tpu.memref_slice %arg9[%add3A_32, %dma_wait3A_37] : memref<10240x128xf32, #tpu.memory_space<vmem_shared>> -> memref<128x128xf32, #tpu.memory_space<vmem_shared>>
        tpu.wait_dma2 semaphore(%run_scoped3A : memref<!tpu.dma_semaphore, #tpu.memory_space<semaphore_mem>>) src(%arg8 : memref<128x128xf32, #tpu.memory_space<vmem>>) dst(%dma_wait3A_38 : memref<128x128xf32, #tpu.memory_space<vmem_shared>>)
        tpu.yield
      }) : () -> ()
    }
    %scan3A_13 = arith.constant 5 : i32
    %barrier3A = arith.constant 0 : index
    tpu.barrier barrier_id(%barrier3A)
    %scan3A_14 = arith.constant 0 : i32
    %scan3A_15 = arith.constant 157 : i32
    %scan3A_16 = arith.addi %scan3A_14, %scan3A_15 : i32
    %scan3A_17 = arith.constant 1 : i32
    scf.for %scan3A_25 = %scan3A_14 to %scan3A_16 step %scan3A_17  : i32 {
      %mul3A_26 = arith.constant 1 : i32
      %mul3A_27 = arith.muli %scan3A_25, %mul3A_26 : i32
      %add3A_28 = arith.constant 0 : i32
      %add3A_29 = arith.addi %add3A_28, %mul3A_27 : i32
      %mul3A_30 = arith.constant 128 : i32
      %mul3A_31 = arith.muli %add3A_29, %mul3A_30 : i32
      %add3A_32 = arith.addi %add3A, %mul3A_31 : i32
      "tpu.region"() ({
        %run_scoped3A = tpu.sem_alloc : memref<!tpu.dma_semaphore, #tpu.memory_space<semaphore_mem>>
        %dma_start3A_48 = tpu.memref_slice %arg3[%add3A_32] : memref<643072xi32, #tpu.memory_space<hbm>> -> memref<128xi32, #tpu.memory_space<hbm>>
        %dma_start3A_49 = tpu.memref_slice %arg3[%add3A_32] : memref<643072xi32, #tpu.memory_space<hbm>> -> memref<128xi32, #tpu.memory_space<hbm>>
        tpu.enqueue_dma source(%dma_start3A_49 : memref<128xi32, #tpu.memory_space<hbm>>) target(%arg6 : memref<128xi32, #tpu.memory_space<vmem>>) target_semaphore(%run_scoped3A : memref<!tpu.dma_semaphore, #tpu.memory_space<semaphore_mem>>)
        %dma_wait3A_50 = tpu.memref_slice %arg3[%add3A_32] : memref<643072xi32, #tpu.memory_space<hbm>> -> memref<128xi32, #tpu.memory_space<hbm>>
        %dma_wait3A_51 = tpu.memref_slice %arg3[%add3A_32] : memref<643072xi32, #tpu.memory_space<hbm>> -> memref<128xi32, #tpu.memory_space<hbm>>
        tpu.wait_dma2 semaphore(%run_scoped3A : memref<!tpu.dma_semaphore, #tpu.memory_space<semaphore_mem>>) src(%dma_wait3A_51 : memref<128xi32, #tpu.memory_space<hbm>>) dst(%arg6 : memref<128xi32, #tpu.memory_space<vmem>>)
        tpu.yield
      }) : () -> ()
      %mul3A_33 = arith.constant 128 : i32
      %mul3A_34 = arith.muli %add3A_29, %mul3A_33 : i32
      %add3A_35 = arith.addi %add3A, %mul3A_34 : i32
      "tpu.region"() ({
        %run_scoped3A = tpu.sem_alloc : memref<!tpu.dma_semaphore, #tpu.memory_space<semaphore_mem>>
        %dma_start3A_48 = tpu.memref_slice %arg4[%add3A_35] : memref<643072xi32, #tpu.memory_space<hbm>> -> memref<128xi32, #tpu.memory_space<hbm>>
        %dma_start3A_49 = tpu.memref_slice %arg4[%add3A_35] : memref<643072xi32, #tpu.memory_space<hbm>> -> memref<128xi32, #tpu.memory_space<hbm>>
        tpu.enqueue_dma source(%dma_start3A_49 : memref<128xi32, #tpu.memory_space<hbm>>) target(%arg7 : memref<128xi32, #tpu.memory_space<vmem>>) target_semaphore(%run_scoped3A : memref<!tpu.dma_semaphore, #tpu.memory_space<semaphore_mem>>)
        %dma_wait3A_50 = tpu.memref_slice %arg4[%add3A_35] : memref<643072xi32, #tpu.memory_space<hbm>> -> memref<128xi32, #tpu.memory_space<hbm>>
        %dma_wait3A_51 = tpu.memref_slice %arg4[%add3A_35] : memref<643072xi32, #tpu.memory_space<hbm>> -> memref<128xi32, #tpu.memory_space<hbm>>
        tpu.wait_dma2 semaphore(%run_scoped3A : memref<!tpu.dma_semaphore, #tpu.memory_space<semaphore_mem>>) src(%dma_wait3A_51 : memref<128xi32, #tpu.memory_space<hbm>>) dst(%arg7 : memref<128xi32, #tpu.memory_space<vmem>>)
        tpu.yield
      }) : () -> ()
      %dma_start3A = arith.constant 0 : i32
      %dma_start3A_36 = arith.constant 0 : i32
      %dma_start3A_37 = tpu.memref_slice %arg2[%arg0, %dma_start3A, %dma_start3A_36] : memref<2x10240x128xf32, #tpu.memory_space<hbm>> -> memref<1x10240x128xf32, #tpu.memory_space<hbm>>
      %dma_start3A_38 = tpu.memref_squeeze %dma_start3A_37 : memref<1x10240x128xf32, #tpu.memory_space<hbm>> -> memref<10240x128xf32, #tpu.memory_space<hbm>>
      %dma_start3A_39 = arith.constant 0 : i32
      %dma_start3A_40 = arith.constant 0 : i32
      %dma_start3A_41 = tpu.memref_slice %dma_start3A_38[%dma_start3A_39, %dma_start3A_40] : memref<10240x128xf32, #tpu.memory_space<hbm>> -> memref<10240x128xf32, #tpu.memory_space<hbm>>
      tpu.enqueue_indirect_dma source(%dma_start3A_41 : memref<10240x128xf32, #tpu.memory_space<hbm>>) target(%arg8 : memref<128x128xf32, #tpu.memory_space<vmem>>) offsets(%arg6 : memref<128xi32, #tpu.memory_space<vmem>>) semaphore(%arg10 : memref<!tpu.dma_semaphore, #tpu.memory_space<semaphore_mem>>)
      %dma_wait3A = arith.constant 0 : i32
      %dma_wait3A_42 = arith.constant 0 : i32
      %dma_wait3A_43 = tpu.memref_slice %arg2[%arg0, %dma_wait3A, %dma_wait3A_42] : memref<2x10240x128xf32, #tpu.memory_space<hbm>> -> memref<1x10240x128xf32, #tpu.memory_space<hbm>>
      %dma_wait3A_44 = tpu.memref_squeeze %dma_wait3A_43 : memref<1x10240x128xf32, #tpu.memory_space<hbm>> -> memref<10240x128xf32, #tpu.memory_space<hbm>>
      %dma_wait3A_45 = arith.constant 0 : i32
      %dma_wait3A_46 = arith.constant 0 : i32
      %dma_wait3A_47 = tpu.memref_slice %dma_wait3A_44[%dma_wait3A_45, %dma_wait3A_46] : memref<10240x128xf32, #tpu.memory_space<hbm>> -> memref<10240x128xf32, #tpu.memory_space<hbm>>
      tpu.wait_indirect_dma semaphore(%arg10 : memref<!tpu.dma_semaphore, #tpu.memory_space<semaphore_mem>>) src(%dma_wait3A_47 : memref<10240x128xf32, #tpu.memory_space<hbm>>) dst(%arg8 : memref<128x128xf32, #tpu.memory_space<vmem>>)
      "tpu.region"() ({
        %run_scoped3A = tpu.sem_alloc : memref<!tpu.dma_semaphore, #tpu.memory_space<semaphore_mem>>
        %dma_start3A_48 = arith.constant 0 : i32
        %dma_start3A_49 = arith.constant 0 : i32
        %dma_start3A_50 = tpu.memref_slice %arg9[%dma_start3A_48, %dma_start3A_49] : memref<10240x128xf32, #tpu.memory_space<vmem_shared>> -> memref<10240x128xf32, #tpu.memory_space<vmem_shared>>
        tpu.enqueue_indirect_dma source(%arg8 : memref<128x128xf32, #tpu.memory_space<vmem>>) target(%dma_start3A_50 : memref<10240x128xf32, #tpu.memory_space<vmem_shared>>) offsets(%arg7 : memref<128xi32, #tpu.memory_space<vmem>>) semaphore(%run_scoped3A : memref<!tpu.dma_semaphore, #tpu.memory_space<semaphore_mem>>) {add = true}
        %dma_wait3A_51 = arith.constant 0 : i32
        %dma_wait3A_52 = arith.constant 0 : i32
        %dma_wait3A_53 = tpu.memref_slice %arg9[%dma_wait3A_51, %dma_wait3A_52] : memref<10240x128xf32, #tpu.memory_space<vmem_shared>> -> memref<10240x128xf32, #tpu.memory_space<vmem_shared>>
        tpu.wait_indirect_dma semaphore(%run_scoped3A : memref<!tpu.dma_semaphore, #tpu.memory_space<semaphore_mem>>) src(%arg8 : memref<128x128xf32, #tpu.memory_space<vmem>>) dst(%dma_wait3A_53 : memref<10240x128xf32, #tpu.memory_space<vmem_shared>>)
        tpu.yield
      }) : () -> ()
    }
    %scan3A_18 = arith.constant 157 : i32
    %barrier3A_19 = arith.constant 0 : index
    tpu.barrier barrier_id(%barrier3A_19)
    %scan3A_20 = arith.constant 0 : i32
    %scan3A_21 = arith.constant 5 : i32
    %scan3A_22 = arith.addi %scan3A_20, %scan3A_21 : i32
    %scan3A_23 = arith.constant 1 : i32
    scf.for %scan3A_25 = %scan3A_20 to %scan3A_22 step %scan3A_23  : i32 {
      %mul3A_26 = arith.constant 1 : i32
      %mul3A_27 = arith.muli %scan3A_25, %mul3A_26 : i32
      %add3A_28 = arith.constant 0 : i32
      %add3A_29 = arith.addi %add3A_28, %mul3A_27 : i32
      %mul3A_30 = arith.constant 128 : i32
      %mul3A_31 = arith.muli %add3A_29, %mul3A_30 : i32
      %add3A_32 = arith.addi %mul3A_0, %mul3A_31 : i32
      "tpu.region"() ({
        %run_scoped3A = tpu.sem_alloc : memref<!tpu.dma_semaphore, #tpu.memory_space<semaphore_mem>>
        %dma_start3A = arith.constant 0 : i32
        %dma_start3A_36 = tpu.memref_slice %arg9[%add3A_32, %dma_start3A] : memref<10240x128xf32, #tpu.memory_space<vmem_shared>> -> memref<128x128xf32, #tpu.memory_space<vmem_shared>>
        %dma_start3A_37 = arith.constant 0 : i32
        %dma_start3A_38 = tpu.memref_slice %arg9[%add3A_32, %dma_start3A_37] : memref<10240x128xf32, #tpu.memory_space<vmem_shared>> -> memref<128x128xf32, #tpu.memory_space<vmem_shared>>
        tpu.enqueue_dma source(%dma_start3A_38 : memref<128x128xf32, #tpu.memory_space<vmem_shared>>) target(%arg8 : memref<128x128xf32, #tpu.memory_space<vmem>>) target_semaphore(%run_scoped3A : memref<!tpu.dma_semaphore, #tpu.memory_space<semaphore_mem>>)
        %dma_wait3A = arith.constant 0 : i32
        %dma_wait3A_39 = tpu.memref_slice %arg9[%add3A_32, %dma_wait3A] : memref<10240x128xf32, #tpu.memory_space<vmem_shared>> -> memref<128x128xf32, #tpu.memory_space<vmem_shared>>
        %dma_wait3A_40 = arith.constant 0 : i32
        %dma_wait3A_41 = tpu.memref_slice %arg9[%add3A_32, %dma_wait3A_40] : memref<10240x128xf32, #tpu.memory_space<vmem_shared>> -> memref<128x128xf32, #tpu.memory_space<vmem_shared>>
        tpu.wait_dma2 semaphore(%run_scoped3A : memref<!tpu.dma_semaphore, #tpu.memory_space<semaphore_mem>>) src(%dma_wait3A_41 : memref<128x128xf32, #tpu.memory_space<vmem_shared>>) dst(%arg8 : memref<128x128xf32, #tpu.memory_space<vmem>>)
        tpu.yield
      }) : () -> ()
      %mul3A_33 = arith.constant 128 : i32
      %mul3A_34 = arith.muli %add3A_29, %mul3A_33 : i32
      %add3A_35 = arith.addi %mul3A_0, %mul3A_34 : i32
      "tpu.region"() ({
        %run_scoped3A = tpu.sem_alloc : memref<!tpu.dma_semaphore, #tpu.memory_space<semaphore_mem>>
        %dma_start3A = arith.constant 0 : i32
        %dma_start3A_36 = tpu.memref_slice %arg5[%arg0, %add3A_35, %dma_start3A] : memref<2x10240x128xf32, #tpu.memory_space<hbm>> -> memref<1x128x128xf32, #tpu.memory_space<hbm>>
        %dma_start3A_37 = tpu.memref_squeeze %dma_start3A_36 : memref<1x128x128xf32, #tpu.memory_space<hbm>> -> memref<128x128xf32, #tpu.memory_space<hbm>>
        %dma_start3A_38 = arith.constant 0 : i32
        %dma_start3A_39 = tpu.memref_slice %arg5[%arg0, %add3A_35, %dma_start3A_38] : memref<2x10240x128xf32, #tpu.memory_space<hbm>> -> memref<1x128x128xf32, #tpu.memory_space<hbm>>
        %dma_start3A_40 = tpu.memref_squeeze %dma_start3A_39 : memref<1x128x128xf32, #tpu.memory_space<hbm>> -> memref<128x128xf32, #tpu.memory_space<hbm>>
        tpu.enqueue_dma source(%arg8 : memref<128x128xf32, #tpu.memory_space<vmem>>) target(%dma_start3A_40 : memref<128x128xf32, #tpu.memory_space<hbm>>) target_semaphore(%run_scoped3A : memref<!tpu.dma_semaphore, #tpu.memory_space<semaphore_mem>>)
        %dma_wait3A = arith.constant 0 : i32
        %dma_wait3A_41 = tpu.memref_slice %arg5[%arg0, %add3A_35, %dma_wait3A] : memref<2x10240x128xf32, #tpu.memory_space<hbm>> -> memref<1x128x128xf32, #tpu.memory_space<hbm>>
        %dma_wait3A_42 = tpu.memref_squeeze %dma_wait3A_41 : memref<1x128x128xf32, #tpu.memory_space<hbm>> -> memref<128x128xf32, #tpu.memory_space<hbm>>
        %dma_wait3A_43 = arith.constant 0 : i32
        %dma_wait3A_44 = tpu.memref_slice %arg5[%arg0, %add3A_35, %dma_wait3A_43] : memref<2x10240x128xf32, #tpu.memory_space<hbm>> -> memref<1x128x128xf32, #tpu.memory_space<hbm>>
        %dma_wait3A_45 = tpu.memref_squeeze %dma_wait3A_44 : memref<1x128x128xf32, #tpu.memory_space<hbm>> -> memref<128x128xf32, #tpu.memory_space<hbm>>
        tpu.wait_dma2 semaphore(%run_scoped3A : memref<!tpu.dma_semaphore, #tpu.memory_space<semaphore_mem>>) src(%arg8 : memref<128x128xf32, #tpu.memory_space<vmem>>) dst(%dma_wait3A_45 : memref<128x128xf32, #tpu.memory_space<hbm>>)
        tpu.yield
      }) : () -> ()
    }
    %scan3A_24 = arith.constant 5 : i32
    return
  }
}

module attributes {stable_mosaic.version = 14 : i64} {
  func.func @body(%arg0: i32, %arg1: i32, %arg2: memref<1x1024x128xf32, #tpu.memory_space<vmem>>, %arg3: memref<1x1024x128xf32, #tpu.memory_space<vmem>>, %arg4: memref<1x1024x128xf32, #tpu.memory_space<vmem>>) attributes {dimension_semantics = [#tpu.dimension_semantics<arbitrary>, #tpu.dimension_semantics<arbitrary>], iteration_bounds = array<i64: 2, 10>, scalar_prefetch = 0 : i64, scratch_operands = 0 : i64, tpu.core_type = #tpu.core_type<tc>, window_params = [{transform_indices = @transform_0, window_bounds = array<i64: 1, 1024, 128>}, {transform_indices = @transform_1, window_bounds = array<i64: 1, 1024, 128>}, {transform_indices = @transform_2, window_bounds = array<i64: 1, 1024, 128>}]} {
    %get3A = arith.constant 0 : index
    %get3A_0 = arith.constant 0 : index
    %get3A_1 = arith.constant 0 : index
    %get3A_2 = vector.load %arg3[%get3A, %get3A_0, %get3A_1] : memref<1x1024x128xf32, #tpu.memory_space<vmem>>, vector<1x1024x128xf32>
    %get3A_3 = vector.shape_cast %get3A_2 : vector<1x1024x128xf32> to vector<1024x128xf32>
    %add3A = arith.constant 1.000000e+00 : f32
    %add3A_4 = vector.broadcast %add3A : f32 to vector<1024x128xf32>
    %add3A_5 = arith.addf %get3A_3, %add3A_4 : vector<1024x128xf32>
    %rsqrt3A = math.rsqrt %add3A_5 : vector<1024x128xf32>
    %mul3A = arith.constant 1024 : i32
    %mul3A_6 = arith.muli %arg1, %mul3A : i32
    %iota3A = tpu.iota {dimensions = array<i32: 0>} : vector<1024x1xi32>
    %add3A_7 = vector.broadcast %mul3A_6 : i32 to vector<1024x1xi32>
    %add3A_8 = arith.addi %add3A_7, %iota3A : vector<1024x1xi32>
    %lt3A = arith.constant 10000 : i32
    %lt3A_9 = vector.broadcast %lt3A : i32 to vector<1024x1xi32>
    %lt3A_10 = arith.cmpi slt, %add3A_8, %lt3A_9 : vector<1024x1xi32>
    %jit3A = arith.constant 0.000000e+00 : f32
    %broadcast_in_dim3A = vector.shape_cast %lt3A_10 : vector<1024x1xi1> to vector<1024x1xi1>
    %broadcast_in_dim3A_11 = vector.broadcast %broadcast_in_dim3A : vector<1024x1xi1> to vector<1024x128xi1>
    %broadcast_in_dim3A_12 = vector.broadcast %jit3A : f32 to vector<1024x128xf32>
    %select_n3A = arith.select %broadcast_in_dim3A_11, %rsqrt3A, %broadcast_in_dim3A_12 : vector<1024x128xi1>, vector<1024x128xf32>
    %get3A_13 = arith.constant 0 : index
    %get3A_14 = arith.constant 0 : index
    %get3A_15 = arith.constant 0 : index
    %get3A_16 = vector.load %arg2[%get3A_13, %get3A_14, %get3A_15] : memref<1x1024x128xf32, #tpu.memory_space<vmem>>, vector<1x1024x128xf32>
    %get3A_17 = vector.shape_cast %get3A_16 : vector<1x1024x128xf32> to vector<1024x128xf32>
    %mul3A_18 = arith.mulf %get3A_17, %select_n3A : vector<1024x128xf32>
    %swap3A = arith.constant 0 : index
    %swap3A_19 = arith.constant 0 : index
    %swap3A_20 = arith.constant 0 : index
    %swap3A_21 = vector.load %arg4[%swap3A, %swap3A_19, %swap3A_20] : memref<1x1024x128xf32, #tpu.memory_space<vmem>>, vector<1x1024x128xf32>
    %swap3A_22 = vector.shape_cast %swap3A_21 : vector<1x1024x128xf32> to vector<1024x128xf32>
    %swap3A_23 = vector.shape_cast %mul3A_18 : vector<1024x128xf32> to vector<1x1024x128xf32>
    tpu.vector_store %arg4[%swap3A, %swap3A_19, %swap3A_20], %swap3A_23 {strides = array<i32>} : memref<1x1024x128xf32, #tpu.memory_space<vmem>>, vector<1x1024x128xf32>,
    return
  }
  func.func @transform_0(%arg0: i32, %arg1: i32) -> (i32, i32, i32) {
    %c0_i32 = arith.constant 0 : i32
    %c0_i32_0 = arith.constant 0 : i32
    return %arg0, %arg1, %c0_i32 : i32, i32, i32
  }
  func.func @transform_1(%arg0: i32, %arg1: i32) -> (i32, i32, i32) {
    %c0_i32 = arith.constant 0 : i32
    %c0_i32_0 = arith.constant 0 : i32
    return %arg0, %arg1, %c0_i32 : i32, i32, i32
  }
  func.func @transform_2(%arg0: i32, %arg1: i32) -> (i32, i32, i32) {
    %c0_i32 = arith.constant 0 : i32
    %c0_i32_0 = arith.constant 0 : i32
    return %arg0, %arg1, %c0_i32 : i32, i32, i32
  }
}

module attributes {stable_mosaic.version = 14 : i64} {
  func.func @body(%arg0: i32, %arg1: i32, %arg2: memref<1x1024x128xf32, #tpu.memory_space<vmem>>, %arg3: memref<1x1024x128xf32, #tpu.memory_space<vmem>>, %arg4: memref<1x1024x128xf32, #tpu.memory_space<vmem>>, %arg5: memref<1x1024x128xf32, #tpu.memory_space<vmem>>, %arg6: memref<128x128xf32, #tpu.memory_space<vmem>>, %arg7: memref<1x1024x128xf32, #tpu.memory_space<vmem>>, %arg8: memref<1x1024x128xf32, #tpu.memory_space<vmem>>) attributes {dimension_semantics = [#tpu.dimension_semantics<arbitrary>, #tpu.dimension_semantics<arbitrary>], iteration_bounds = array<i64: 2, 10>, scalar_prefetch = 0 : i64, scratch_operands = 0 : i64, tpu.core_type = #tpu.core_type<tc>, window_params = [{transform_indices = @transform_0, window_bounds = array<i64: 1, 1024, 128>}, {transform_indices = @transform_1, window_bounds = array<i64: 1, 1024, 128>}, {transform_indices = @transform_2, window_bounds = array<i64: 1, 1024, 128>}, {transform_indices = @transform_3, window_bounds = array<i64: 1, 1024, 128>}, {pipeline_mode = #tpu.pipeline_mode<synchronous>, transform_indices = @transform_4, window_bounds = array<i64: 128, 128>}, {transform_indices = @transform_5, window_bounds = array<i64: 1, 1024, 128>}, {transform_indices = @transform_6, window_bounds = array<i64: 1, 1024, 128>}]} {
    %get3A = arith.constant 0 : index
    %get3A_0 = arith.constant 0 : index
    %get3A_1 = arith.constant 0 : index
    %get3A_2 = vector.load %arg5[%get3A, %get3A_0, %get3A_1] : memref<1x1024x128xf32, #tpu.memory_space<vmem>>, vector<1x1024x128xf32>
    %get3A_3 = vector.shape_cast %get3A_2 : vector<1x1024x128xf32> to vector<1024x128xf32>
    %add3A = arith.constant 1.000000e+00 : f32
    %add3A_4 = vector.broadcast %add3A : f32 to vector<1024x128xf32>
    %add3A_5 = arith.addf %get3A_3, %add3A_4 : vector<1024x128xf32>
    %rsqrt3A = math.rsqrt %add3A_5 : vector<1024x128xf32>
    %mul3A = arith.constant 1024 : i32
    %mul3A_6 = arith.muli %arg1, %mul3A : i32
    %iota3A = tpu.iota {dimensions = array<i32: 0>} : vector<1024x1xi32>
    %add3A_7 = vector.broadcast %mul3A_6 : i32 to vector<1024x1xi32>
    %add3A_8 = arith.addi %add3A_7, %iota3A : vector<1024x1xi32>
    %lt3A = arith.constant 10000 : i32
    %lt3A_9 = vector.broadcast %lt3A : i32 to vector<1024x1xi32>
    %lt3A_10 = arith.cmpi slt, %add3A_8, %lt3A_9 : vector<1024x1xi32>
    %jit3A = arith.constant 0.000000e+00 : f32
    %broadcast_in_dim3A = vector.shape_cast %lt3A_10 : vector<1024x1xi1> to vector<1024x1xi1>
    %broadcast_in_dim3A_11 = vector.broadcast %broadcast_in_dim3A : vector<1024x1xi1> to vector<1024x128xi1>
    %broadcast_in_dim3A_12 = vector.broadcast %jit3A : f32 to vector<1024x128xf32>
    %select_n3A = arith.select %broadcast_in_dim3A_11, %rsqrt3A, %broadcast_in_dim3A_12 : vector<1024x128xi1>, vector<1024x128xf32>
    %get3A_13 = arith.constant 0 : index
    %get3A_14 = arith.constant 0 : index
    %get3A_15 = arith.constant 0 : index
    %get3A_16 = vector.load %arg2[%get3A_13, %get3A_14, %get3A_15] : memref<1x1024x128xf32, #tpu.memory_space<vmem>>, vector<1x1024x128xf32>
    %get3A_17 = vector.shape_cast %get3A_16 : vector<1x1024x128xf32> to vector<1024x128xf32>
    %get3A_18 = arith.constant 0 : index
    %get3A_19 = arith.constant 0 : index
    %get3A_20 = arith.constant 0 : index
    %get3A_21 = vector.load %arg3[%get3A_18, %get3A_19, %get3A_20] : memref<1x1024x128xf32, #tpu.memory_space<vmem>>, vector<1x1024x128xf32>
    %get3A_22 = vector.shape_cast %get3A_21 : vector<1x1024x128xf32> to vector<1024x128xf32>
    %add3A_23 = arith.addf %get3A_17, %get3A_22 : vector<1024x128xf32>
    %mul3A_24 = arith.mulf %add3A_23, %select_n3A : vector<1024x128xf32>
    %get3A_25 = arith.constant 0 : index
    %get3A_26 = arith.constant 0 : index
    %get3A_27 = vector.load %arg6[%get3A_25, %get3A_26] : memref<128x128xf32, #tpu.memory_space<vmem>>, vector<128x128xf32>
    %dot_general3A = arith.constant dense<0.000000e+00> : vector<1024x128xf32>
    %dot_general3A_28 = tpu.matmul %mul3A_24, %get3A_27, %dot_general3A {dimension_numbers = #tpu.dot_dimension_numbers<[1], [0], [0], [1], [0, 0, 1, 1], [], []>, transpose_lhs_hint = false} : vector<1024x128xf32>, vector<128x128xf32>, vector<1024x128xf32> -> vector<1024x128xf32>
    %get3A_29 = arith.constant 0 : index
    %get3A_30 = arith.constant 0 : index
    %get3A_31 = arith.constant 0 : index
    %get3A_32 = vector.load %arg4[%get3A_29, %get3A_30, %get3A_31] : memref<1x1024x128xf32, #tpu.memory_space<vmem>>, vector<1x1024x128xf32>
    %get3A_33 = vector.shape_cast %get3A_32 : vector<1x1024x128xf32> to vector<1024x128xf32>
    %add3A_34 = arith.addf %dot_general3A_28, %get3A_33 : vector<1024x128xf32>
    %max3A = arith.constant 0.000000e+00 : f32
    %max3A_35 = vector.broadcast %max3A : f32 to vector<1024x128xf32>
    %max3A_36 = arith.maximumf %add3A_34, %max3A_35 : vector<1024x128xf32>
    %swap3A = arith.constant 0 : index
    %swap3A_37 = arith.constant 0 : index
    %swap3A_38 = arith.constant 0 : index
    %swap3A_39 = vector.load %arg7[%swap3A, %swap3A_37, %swap3A_38] : memref<1x1024x128xf32, #tpu.memory_space<vmem>>, vector<1x1024x128xf32>
    %swap3A_40 = vector.shape_cast %swap3A_39 : vector<1x1024x128xf32> to vector<1024x128xf32>
    %swap3A_41 = vector.shape_cast %max3A_36 : vector<1024x128xf32> to vector<1x1024x128xf32>
    tpu.vector_store %arg7[%swap3A, %swap3A_37, %swap3A_38], %swap3A_41 {strides = array<i32>} : memref<1x1024x128xf32, #tpu.memory_space<vmem>>, vector<1x1024x128xf32>,
    %mul3A_42 = arith.mulf %max3A_36, %select_n3A : vector<1024x128xf32>
    %swap3A_43 = arith.constant 0 : index
    %swap3A_44 = arith.constant 0 : index
    %swap3A_45 = arith.constant 0 : index
    %swap3A_46 = vector.load %arg8[%swap3A_43, %swap3A_44, %swap3A_45] : memref<1x1024x128xf32, #tpu.memory_space<vmem>>, vector<1x1024x128xf32>
    %swap3A_47 = vector.shape_cast %swap3A_46 : vector<1x1024x128xf32> to vector<1024x128xf32>
    %swap3A_48 = vector.shape_cast %mul3A_42 : vector<1024x128xf32> to vector<1x1024x128xf32>
    tpu.vector_store %arg8[%swap3A_43, %swap3A_44, %swap3A_45], %swap3A_48 {strides = array<i32>} : memref<1x1024x128xf32, #tpu.memory_space<vmem>>, vector<1x1024x128xf32>,
    return
  }
  func.func @transform_0(%arg0: i32, %arg1: i32) -> (i32, i32, i32) {
    %c0_i32 = arith.constant 0 : i32
    %c0_i32_0 = arith.constant 0 : i32
    return %arg0, %arg1, %c0_i32 : i32, i32, i32
  }
  func.func @transform_1(%arg0: i32, %arg1: i32) -> (i32, i32, i32) {
    %c0_i32 = arith.constant 0 : i32
    %c0_i32_0 = arith.constant 0 : i32
    return %arg0, %arg1, %c0_i32 : i32, i32, i32
  }
  func.func @transform_2(%arg0: i32, %arg1: i32) -> (i32, i32, i32) {
    %c0_i32 = arith.constant 0 : i32
    %c0_i32_0 = arith.constant 0 : i32
    return %arg0, %arg1, %c0_i32 : i32, i32, i32
  }
  func.func @transform_3(%arg0: i32, %arg1: i32) -> (i32, i32, i32) {
    %c0_i32 = arith.constant 0 : i32
    %c0_i32_0 = arith.constant 0 : i32
    return %arg0, %arg1, %c0_i32 : i32, i32, i32
  }
  func.func @transform_4(%arg0: i32, %arg1: i32) -> (i32, i32) {
    %c0_i32 = arith.constant 0 : i32
    %c0_i32_0 = arith.constant 0 : i32
    %c0_i32_1 = arith.constant 0 : i32
    return %c0_i32, %c0_i32_0 : i32, i32
  }
  func.func @transform_5(%arg0: i32, %arg1: i32) -> (i32, i32, i32) {
    %c0_i32 = arith.constant 0 : i32
    %c0_i32_0 = arith.constant 0 : i32
    return %arg0, %arg1, %c0_i32 : i32, i32, i32
  }
  func.func @transform_6(%arg0: i32, %arg1: i32) -> (i32, i32, i32) {
    %c0_i32 = arith.constant 0 : i32
    %c0_i32_0 = arith.constant 0 : i32
    return %arg0, %arg1, %c0_i32 : i32, i32, i32
  }
}

module attributes {stable_mosaic.version = 14 : i64} {
  func.func @body(%arg0: i32, %arg1: i32, %arg2: memref<1x1024x128xf32, #tpu.memory_space<vmem>>, %arg3: memref<1x1024x128xf32, #tpu.memory_space<vmem>>, %arg4: memref<1x1024x128xf32, #tpu.memory_space<vmem>>, %arg5: memref<1x1024x128xf32, #tpu.memory_space<vmem>>, %arg6: memref<128x128xf32, #tpu.memory_space<vmem>>, %arg7: memref<1x1024x128xf32, #tpu.memory_space<vmem>>, %arg8: memref<1x1024x128xf32, #tpu.memory_space<vmem>>) attributes {dimension_semantics = [#tpu.dimension_semantics<arbitrary>, #tpu.dimension_semantics<arbitrary>], iteration_bounds = array<i64: 2, 10>, scalar_prefetch = 0 : i64, scratch_operands = 0 : i64, tpu.core_type = #tpu.core_type<tc>, window_params = [{transform_indices = @transform_0, window_bounds = array<i64: 1, 1024, 128>}, {transform_indices = @transform_1, window_bounds = array<i64: 1, 1024, 128>}, {transform_indices = @transform_2, window_bounds = array<i64: 1, 1024, 128>}, {transform_indices = @transform_3, window_bounds = array<i64: 1, 1024, 128>}, {pipeline_mode = #tpu.pipeline_mode<synchronous>, transform_indices = @transform_4, window_bounds = array<i64: 128, 128>}, {transform_indices = @transform_5, window_bounds = array<i64: 1, 1024, 128>}, {transform_indices = @transform_6, window_bounds = array<i64: 1, 1024, 128>}]} {
    %get3A = arith.constant 0 : index
    %get3A_0 = arith.constant 0 : index
    %get3A_1 = arith.constant 0 : index
    %get3A_2 = vector.load %arg5[%get3A, %get3A_0, %get3A_1] : memref<1x1024x128xf32, #tpu.memory_space<vmem>>, vector<1x1024x128xf32>
    %get3A_3 = vector.shape_cast %get3A_2 : vector<1x1024x128xf32> to vector<1024x128xf32>
    %add3A = arith.constant 1.000000e+00 : f32
    %add3A_4 = vector.broadcast %add3A : f32 to vector<1024x128xf32>
    %add3A_5 = arith.addf %get3A_3, %add3A_4 : vector<1024x128xf32>
    %rsqrt3A = math.rsqrt %add3A_5 : vector<1024x128xf32>
    %mul3A = arith.constant 1024 : i32
    %mul3A_6 = arith.muli %arg1, %mul3A : i32
    %iota3A = tpu.iota {dimensions = array<i32: 0>} : vector<1024x1xi32>
    %add3A_7 = vector.broadcast %mul3A_6 : i32 to vector<1024x1xi32>
    %add3A_8 = arith.addi %add3A_7, %iota3A : vector<1024x1xi32>
    %lt3A = arith.constant 10000 : i32
    %lt3A_9 = vector.broadcast %lt3A : i32 to vector<1024x1xi32>
    %lt3A_10 = arith.cmpi slt, %add3A_8, %lt3A_9 : vector<1024x1xi32>
    %jit3A = arith.constant 0.000000e+00 : f32
    %broadcast_in_dim3A = vector.shape_cast %lt3A_10 : vector<1024x1xi1> to vector<1024x1xi1>
    %broadcast_in_dim3A_11 = vector.broadcast %broadcast_in_dim3A : vector<1024x1xi1> to vector<1024x128xi1>
    %broadcast_in_dim3A_12 = vector.broadcast %jit3A : f32 to vector<1024x128xf32>
    %select_n3A = arith.select %broadcast_in_dim3A_11, %rsqrt3A, %broadcast_in_dim3A_12 : vector<1024x128xi1>, vector<1024x128xf32>
    %get3A_13 = arith.constant 0 : index
    %get3A_14 = arith.constant 0 : index
    %get3A_15 = arith.constant 0 : index
    %get3A_16 = vector.load %arg2[%get3A_13, %get3A_14, %get3A_15] : memref<1x1024x128xf32, #tpu.memory_space<vmem>>, vector<1x1024x128xf32>
    %get3A_17 = vector.shape_cast %get3A_16 : vector<1x1024x128xf32> to vector<1024x128xf32>
    %get3A_18 = arith.constant 0 : index
    %get3A_19 = arith.constant 0 : index
    %get3A_20 = arith.constant 0 : index
    %get3A_21 = vector.load %arg3[%get3A_18, %get3A_19, %get3A_20] : memref<1x1024x128xf32, #tpu.memory_space<vmem>>, vector<1x1024x128xf32>
    %get3A_22 = vector.shape_cast %get3A_21 : vector<1x1024x128xf32> to vector<1024x128xf32>
    %add3A_23 = arith.addf %get3A_17, %get3A_22 : vector<1024x128xf32>
    %mul3A_24 = arith.mulf %add3A_23, %select_n3A : vector<1024x128xf32>
    %get3A_25 = arith.constant 0 : index
    %get3A_26 = arith.constant 0 : index
    %get3A_27 = vector.load %arg6[%get3A_25, %get3A_26] : memref<128x128xf32, #tpu.memory_space<vmem>>, vector<128x128xf32>
    %dot_general3A = arith.constant dense<0.000000e+00> : vector<1024x128xf32>
    %dot_general3A_28 = tpu.matmul %mul3A_24, %get3A_27, %dot_general3A {dimension_numbers = #tpu.dot_dimension_numbers<[1], [0], [0], [1], [0, 0, 1, 1], [], []>, transpose_lhs_hint = false} : vector<1024x128xf32>, vector<128x128xf32>, vector<1024x128xf32> -> vector<1024x128xf32>
    %get3A_29 = arith.constant 0 : index
    %get3A_30 = arith.constant 0 : index
    %get3A_31 = arith.constant 0 : index
    %get3A_32 = vector.load %arg4[%get3A_29, %get3A_30, %get3A_31] : memref<1x1024x128xf32, #tpu.memory_space<vmem>>, vector<1x1024x128xf32>
    %get3A_33 = vector.shape_cast %get3A_32 : vector<1x1024x128xf32> to vector<1024x128xf32>
    %add3A_34 = arith.addf %dot_general3A_28, %get3A_33 : vector<1024x128xf32>
    %max3A = arith.constant 0.000000e+00 : f32
    %max3A_35 = vector.broadcast %max3A : f32 to vector<1024x128xf32>
    %max3A_36 = arith.maximumf %add3A_34, %max3A_35 : vector<1024x128xf32>
    %swap3A = arith.constant 0 : index
    %swap3A_37 = arith.constant 0 : index
    %swap3A_38 = arith.constant 0 : index
    %swap3A_39 = vector.load %arg7[%swap3A, %swap3A_37, %swap3A_38] : memref<1x1024x128xf32, #tpu.memory_space<vmem>>, vector<1x1024x128xf32>
    %swap3A_40 = vector.shape_cast %swap3A_39 : vector<1x1024x128xf32> to vector<1024x128xf32>
    %swap3A_41 = vector.shape_cast %max3A_36 : vector<1024x128xf32> to vector<1x1024x128xf32>
    tpu.vector_store %arg7[%swap3A, %swap3A_37, %swap3A_38], %swap3A_41 {strides = array<i32>} : memref<1x1024x128xf32, #tpu.memory_space<vmem>>, vector<1x1024x128xf32>,
    %mul3A_42 = arith.mulf %max3A_36, %select_n3A : vector<1024x128xf32>
    %swap3A_43 = arith.constant 0 : index
    %swap3A_44 = arith.constant 0 : index
    %swap3A_45 = arith.constant 0 : index
    %swap3A_46 = vector.load %arg8[%swap3A_43, %swap3A_44, %swap3A_45] : memref<1x1024x128xf32, #tpu.memory_space<vmem>>, vector<1x1024x128xf32>
    %swap3A_47 = vector.shape_cast %swap3A_46 : vector<1x1024x128xf32> to vector<1024x128xf32>
    %swap3A_48 = vector.shape_cast %mul3A_42 : vector<1024x128xf32> to vector<1x1024x128xf32>
    tpu.vector_store %arg8[%swap3A_43, %swap3A_44, %swap3A_45], %swap3A_48 {strides = array<i32>} : memref<1x1024x128xf32, #tpu.memory_space<vmem>>, vector<1x1024x128xf32>,
    return
  }
  func.func @transform_0(%arg0: i32, %arg1: i32) -> (i32, i32, i32) {
    %c0_i32 = arith.constant 0 : i32
    %c0_i32_0 = arith.constant 0 : i32
    return %arg0, %arg1, %c0_i32 : i32, i32, i32
  }
  func.func @transform_1(%arg0: i32, %arg1: i32) -> (i32, i32, i32) {
    %c0_i32 = arith.constant 0 : i32
    %c0_i32_0 = arith.constant 0 : i32
    return %arg0, %arg1, %c0_i32 : i32, i32, i32
  }
  func.func @transform_2(%arg0: i32, %arg1: i32) -> (i32, i32, i32) {
    %c0_i32 = arith.constant 0 : i32
    %c0_i32_0 = arith.constant 0 : i32
    return %arg0, %arg1, %c0_i32 : i32, i32, i32
  }
  func.func @transform_3(%arg0: i32, %arg1: i32) -> (i32, i32, i32) {
    %c0_i32 = arith.constant 0 : i32
    %c0_i32_0 = arith.constant 0 : i32
    return %arg0, %arg1, %c0_i32 : i32, i32, i32
  }
  func.func @transform_4(%arg0: i32, %arg1: i32) -> (i32, i32) {
    %c0_i32 = arith.constant 0 : i32
    %c0_i32_0 = arith.constant 0 : i32
    %c0_i32_1 = arith.constant 0 : i32
    return %c0_i32, %c0_i32_0 : i32, i32
  }
  func.func @transform_5(%arg0: i32, %arg1: i32) -> (i32, i32, i32) {
    %c0_i32 = arith.constant 0 : i32
    %c0_i32_0 = arith.constant 0 : i32
    return %arg0, %arg1, %c0_i32 : i32, i32, i32
  }
  func.func @transform_6(%arg0: i32, %arg1: i32) -> (i32, i32, i32) {
    %c0_i32 = arith.constant 0 : i32
    %c0_i32_0 = arith.constant 0 : i32
    return %arg0, %arg1, %c0_i32 : i32, i32, i32
  }
}

</mosaic_0001>

<sc_bundles>
// kernel: kernel.12.cloned.1.call-start
scs
__scs_entry_jumppad:
0x0: {  	(pc) =	sbr.rel $0x88, $3  }
0x1: {  	(tag) =	ssettag $0x0;
	lr =	simm.s32 $0x1  }
0x2: {  	[smem:$0x3F99] =	sst lr;
	_ =	strace $0xD0000000  }
0x3: {  	_ = 	snop  }
0x4: {  	_ = 	snop  }
0x5: {  	_ = 	snop  }
0x6: {  	_ = 	snop  }
0x7: {  	_ = 	snop  }
__scs_overlays_trampoline_lowered:
0x8: {  	[smem:$0x3FA8] =	sst s0  }
0x9: {  	[smem:$0x3FA9] =	sst s1  }
0xa: {  	[smem:$0x3FAA] =	sst s2  }
0xb: {  	[smem:$0x3FAB] =	sst s3  }
0xc: {  	[smem:$0x3FAC] =	sst s4  }
0xd: {  	[smem:$0x3FAD] =	sst s5  }
0xe: {  	[smem:$0x3FAE] =	sst s6  }
0xf: {  	[smem:$0x3FAF] =	sst s7  }
0x10: {  	[smem:$0x3FB0] =	sst s8  }
0x11: {  	[smem:$0x3FB1] =	sst s9;
	s0 =	simm.s32 @!p0 $0x0  }
0x12: {  	s1 =	sld [smem:$0x3F97];
	s0 =	simm.s32 @p0 $0x1  }
0x13: {  	[smem:$0x3FB2] =	sst s0;
	s0 =	simm.s32 @!p1 $0x0  }
0x14: {  	s2 =	sld [smem:$0x3F96];
	s0 =	simm.s32 @p1 $0x1  }
0x15: {  	[smem:$0x3FB3] =	sst s0;
	s0 =	simm.s32 @!p2 $0x0  }
0x16: {  	s3 =	sld [smem:$0x3FDB];
	s0 =	simm.s32 @p2 $0x1  }
0x17: {  	s4 =	simm.s32 $0x1BF5;
	[smem:$0x3FB5] =	sst s0  }
0x18: {  	s0 =	sld [smem:$0x3F98];
	_ =	swait.ge [sflag:s4], $0x0  }
0x19: {  	s7 =	sld [smem:$0x3F99]  }
0x1a: {  	s8 =	sadd.s32 $0xFFFFE003, lr  }
0x1b: {  	s9 =	sadd.s32 $0xFFFFFEF7, lr;
	s5 =	simm.s32 $0xFFFFFFFF;
	p2 =	slt.u32 s8, $0xFFFFF086  }
0x1c: {  	p1 =	slt.u32 s9, $0xF7A;
	s5 =	simm.s32 @!p2 $0x0  }
0x1d: {  	s5 =	simm.s32 @p1 $0x1;
	p0 =	seq.s32 s7, s2  }
0x1e: {  	s7 =	smul.u32 @!p0 $0xF7A, s2;
	p2 =	seq.s32 @!p0 s5, $0x0  }
0x1f: {  	s9 =	smul.u32 $0xF7A, s1;
	s8 =	simm.s32 @!p0 $0x1BF5;
	p2 =	por !p2, p0  }
0x20: {  	[sflag:s8] =	ssyncset.s32 @!p0 $0xFFFFF086;
	s6 =	sadd.s32 @!p0 s3, s7;
	s7 =	simm.s32 @!p0 $0x108  }
0x21: {  	s3 =	sadd.s32 s3, s9;
	s6 =	sadd.s32 @!p0 $0x88, s6;
	s7 =	simm.s32 @p2 $0x1082  }
0x22: {  	[simem:s7], [sflag:s8] =	dma.local @!p0 [hbm:s6], $0xF7A  }
0x23: {  	s9 =	sor.u32 $0xD0000000, s2;
	s6 =	simm.s32 $0x108;
	_ =	swait.ge @!p0 [sflag:s8], $0x0  }
0x24: {  	s3 =	sadd.s32 $0x88, s3;
	s6 =	simm.s32 @!p1 $0x1082;
	[sflag:s4] =	ssyncset.s32 $0xFFFFF086  }
0x25: {  	[simem:s6], [sflag:s4] =	dma.local [hbm:s3], $0xF7A  }
0x26: {  	[smem:$0x3F99] =	sst s1;
	(tag) =	ssettag s2;
	_ =	strace s9  }
0x27: {  	s1 =	sld [smem:$0x3FA9]  }
0x28: {  	s2 =	sld [smem:$0x3FAA]  }
0x29: {  	s4 =	sld [smem:$0x3FAC]  }
0x2a: {  	p0 =	seq.s32 s5, $0x0;
	s5 =	sld [smem:$0x3FAD]  }
0x2b: {  	s6 =	sld [smem:$0x3FAE]  }
0x2c: {  	s7 =	sld [smem:$0x3FAF]  }
0x2d: {  	s3 =	simm.s32 $0x108;
	s8 =	sld [smem:$0x3FB0]  }
0x2e: {  	s3 =	simm.s32 @!p0 $0x1082;
	s9 =	sld [smem:$0x3FB1]  }
0x2f: {  	lr =	sadd.s32 s0, s3;
	s0 =	sld [smem:$0x3FA8]  }
0x30: {  	s3 =	sld [smem:$0x3FAB]  }
0x31: {  	[smem:$0x3FB4] =	sst s10  }
0x32: {  	s10 =	sld [smem:$0x3FB2];
	_ =	sdelay $0x3  }
0x33: {  	p0 =	seq.s32 s10, $0x1;
	s10 =	sld [smem:$0x3FB4];
	_ =	sdelay $0x3  }
0x34: {  	[smem:$0x3FB4] =	sst s10  }
0x35: {  	s10 =	sld [smem:$0x3FB3];
	_ =	sdelay $0x3  }
0x36: {  	p1 =	seq.s32 s10, $0x1;
	s10 =	sld [smem:$0x3FB4];
	_ =	sdelay $0x3  }
0x37: {  	[smem:$0x3FB4] =	sst s10  }
0x38: {  	s10 =	sld [smem:$0x3FB5]  }
0x39: {  	_ = 	snop;
	(pc) =	sbr.ind lr, $3  }
0x3a: {  	_ = 	snop  }
0x3b: {  	_ = 	snop  }
0x3c: {  	p2 =	seq.s32 s10, $0x1;
	s10 =	sld [smem:$0x3FB4]  }
0x3d: {  	_ =	shalt  }
0x3e: {  	_ =	shalt  }
0x3f: {  	_ =	shalt  }
0x40: {  	_ =	shalt  }
0x41: {  	_ =	shalt  }
0x42: {  	_ =	shalt  }
0x43: {  	_ =	shalt  }
0x44: {  	_ =	shalt  }
0x45: {  	_ =	shalt  }
0x46: {  	_ =	shalt  }
0x47: {  	_ =	shalt  }
0x48: {  	_ =	shalt  }
0x49: {  	_ =	shalt  }
0x4a: {  	_ =	shalt  }
0x4b: {  	_ =	shalt  }
0x4c: {  	_ =	shalt  }
0x4d: {  	_ =	shalt  }
0x4e: {  	_ =	shalt  }
0x4f: {  	_ =	shalt  }
0x50: {  	_ =	shalt  }
0x51: {  	_ =	shalt  }
0x52: {  	_ =	shalt  }
0x53: {  	_ =	shalt  }
0x54: {  	_ =	shalt  }
0x55: {  	_ =	shalt  }
0x56: {  	_ =	shalt  }
0x57: {  	_ =	shalt  }
0x58: {  	_ =	shalt  }
0x59: {  	_ =	shalt  }
0x5a: {  	_ =	shalt  }
0x5b: {  	_ =	shalt  }
0x5c: {  	_ =	shalt  }
0x5d: {  	_ =	shalt  }
0x5e: {  	_ =	shalt  }
0x5f: {  	_ =	shalt  }
0x60: {  	_ =	shalt  }
0x61: {  	_ =	shalt  }
0x62: {  	_ =	shalt  }
0x63: {  	_ =	shalt  }
0x64: {  	_ =	shalt  }
0x65: {  	_ =	shalt  }
0x66: {  	_ =	shalt  }
0x67: {  	_ =	shalt  }
0x68: {  	_ =	shalt  }
0x69: {  	_ =	shalt  }
0x6a: {  	_ =	shalt  }
0x6b: {  	_ =	shalt  }
0x6c: {  	_ =	shalt  }
0x6d: {  	_ =	shalt  }
0x6e: {  	_ =	shalt  }
0x6f: {  	_ =	shalt  }
0x70: {  	_ =	shalt  }
0x71: {  	_ =	shalt  }
0x72: {  	_ =	shalt  }
0x73: {  	_ =	shalt  }
0x74: {  	_ =	shalt  }
0x75: {  	_ =	shalt  }
0x76: {  	_ =	shalt  }
0x77: {  	_ =	shalt  }
0x78: {  	_ =	shalt  }
0x79: {  	_ =	shalt  }
0x7a: {  	_ =	shalt  }
0x7b: {  	_ =	shalt  }
0x7c: {  	_ =	shalt  }
0x7d: {  	_ =	shalt  }
0x7e: {  	_ =	shalt  }
0x7f: {  	_ =	shalt  }
0x80: {  	_ =	shalt  }
0x81: {  	_ =	shalt  }
0x82: {  	_ =	shalt  }
0x83: {  	_ =	shalt  }
0x84: {  	_ =	shalt  }
0x85: {  	_ =	shalt  }
0x86: {  	_ =	shalt  }
0x87: {  	_ =	shalt  }
.Lfunc_end0:
.L_simem_size_0:
called_computation.1_lowered:
.L_overlay_start_0:
0x88: {  	s2 =	sld [smem:$0x3FD9]  }
0x89: {  	s3 =	sld [smem:$0x3FFE];
	_ =	sdelay $0x1  }
0x8a: {  	s1 =	srdreg.scid  }
0x8b: {  	s0 =	sand.u32 $0x1, s1  }
0x8c: {  	s14 =	sshll.u32 s0, $0xA;
	s2 =	sadd.s32 s3, s2  }
0x8d: {  	s2 =	sadd.s32 s2, s14  }
0x8e: {  	[smem:$0x3FC0] =	sst s2  }
0x8f: {  	_ = 	snop  }
0x90: {  	s2 =	sld [smem:$0x3FD0];
	_ =	sdelay $0x2  }
0x91: {  	s15 =	simm.s32 $0xA;
	s4 =	simm.s32 $0x10  }
0x92: {  	[smem:s4], [sflag:s15] =	dma.local [hbm:s2], $0x1  }
0x93: {  	_ =	swait.eq [sflag:s15], $0x1  }
0x94: {  	[sflag:s15] =	ssyncset.done $0x0  }
0x95: {  	s16 =	sld [smem:$0x12];
	[sflag:s15] =	ssyncadd.s32 $0xFFFFFFFF  }
0x96: {  	s17 =	sld [smem:$0x13];
	(tm) =	ssettm $0x1  }
0x97: {  	s18 =	sld [smem:$0x3FFB];
	_ =	sdelay $0x3  }
0x98: {  	_ =	strace s18  }
0x99: {  	s4 =	sld [smem:$0x3FFC];
	_ =	sdelay $0x3  }
0x9a: {  	_ =	strace s4  }
0x9b: {  	s4 =	sld [smem:$0x3FFD];
	_ =	sdelay $0x3  }
0x9c: {  	_ =	strace s4  }
0x9d: {  	_ =	strace $0x8FFFFFFF  }
0x9e: {  	s19 =	sld [smem:$0x3FDB];
	_ =	sdelay $0x1  }
0x9f: {  	s5 =	simm.s32 $_scs_section_size  }
0xa0: {  	s6 =	simm.s32 $_size__tile_overlayer_lowered;
	s7 =	simm.s32 $_tile_overlayer_lowered  }
0xa1: {  	s22 =	simm.s32 $0x1BFF;
	s21 =	sshll.u32 s7, $0x1;
	s4 =	sadd.s32 s5, s19  }
0xa2: {  	s8 =	simm.s32 $0x0;
	s20 =	sshll.u32 s6, $0x1;
	s6 =	sadd.s32 s21, s4  }
0xa3: {  	[timem:s8], [sflag:s22] =	dma.local [hbm:s6], s20  }
0xa4: {  	_ =	swait.ge [sflag:s22], s20  }
0xa5: {  	s5 =	ssub.s32 $0x0, s20;
	[sflag:s22] =	ssyncset.done $0x0  }
0xa6: {  	[sflag:s22] =	ssyncadd.s32 s5;
	_ =	sdelay $0x1  }
0xa7: {  	s23 =	simm.s32 $0x1B8B  }
0xa8: {  	_ =	swait.ge [sflag:s23], $0x1  }
0xa9: {  	[sflag:s23] =	ssyncset.done $0x0  }
0xaa: {  	s25 =	simm.s32 $0x1B8E;
	s24 =	sld [smem:$0x3FFE];
	[sflag:s23] =	ssyncadd.s32 $0xFFFFFFFF  }
0xab: {  	s26 =	simm.s32 $execute0_lowered;
	[smem:$0x3FD2] =	sst s25  }
0xac: {  	s6 =	sshll.u32 s26, $0x1;
	_ =	strace $0x80000049;
	[dreg:$0x1] =	wrdreg $0xFFFFFFFF  }
0xad: {  	s28 =	simm.s32 $_size_execute0_lowered;
	s4 =	sadd.s32 s4, s6;
	[dreg:$0x0] =	wrdreg $0x0  }
0xae: {  	s6 =	sshll.u32 s28, $0x1;
	[dreg:$0x2] =	wrdreg s4  }
0xaf: {  	[dreg:$0x3] =	wrdreg s6  }
0xb0: {  	[dreg:$0x4] =	wrdreg $0xC0  }
0xb1: {  	_ =	task [dreg:s8], $0x5FFFF  }
0xb2: {  	[dreg:$0x1] =	wrdreg $0xFFFFFFFF  }
0xb3: {  	[dreg:$0x0] =	wrdreg $0x60  }
0xb4: {  	[dreg:$0x2] =	wrdreg s24  }
0xb5: {  	[dreg:$0x3] =	wrdreg s16  }
0xb6: {  	[dreg:$0x4] =	wrdreg s17  }
0xb7: {  	[dreg:$0x5] =	wrdreg $0x41000  }
0xb8: {  	[dreg:$0x6] =	wrdreg $0x9  }
0xb9: {  	_ =	task.clear_ibuf [dreg:s8], $0x7FFFF;
	_ =	strace $0x90000049  }
0xba: {  	s29 =	simm.s32 $0x9;
	_ =	strace $0x8000004B  }
0xbb: {  	_ =	swait.ge [sflag:s29], $0x1  }
0xbc: {  	[sflag:s29] =	ssyncadd.s32 $0xFFFFFFFF  }
0xbd: {  	_ =	strace $0x9000004B  }
0xbe: {  	_ =	sfence  }
0xbf: {  	s30 =	sld [smem:$0x0];
	_ =	sdelay $0x2  }
0xc0: {  	s31 =	sshll.u32 s1, $0xD;
	s1 =	sshrl.u32 s1, $0x2  }
0xc1: {  	s3 =	sand.u32 $0x4000, s31;
	s1 =	sadd.s32 s1, s30  }
0xc2: {  	s0 =	sor.u32 s3, s0;
	s1 =	sshll.u32 s1, $0x11  }
0xc3: {  	s0 =	sor.u32 s1, s0  }
0xc4: {  	s0 =	sadd.s32 $0x8F2B, s0  }
0xc5: {  	[sflag:s0] =	ssyncadd.remote.s32 $0x1  }
0xc6: {  	_ =	sfence.sel $0xFFFF  }
0xc7: {  	[dreg:$0x0] =	wrdreg $0xFFFFFFFF;
	(pc) =	sbr.abs _section_cstart, $3  }
0xc8: {  	[dreg:$0x1] =	wrdreg $0xFFFFFFFF  }
0xc9: {  	_ =	task.clear_ibuf [dreg:s8], $0x2FFFF;
	_ =	strace $0x9FFFFFFF  }
0xca: {  	(tm) =	ssettm $0x7FFFFFFF  }
0xcb: {  	_ =	shalt  }
tec
execute0_lowered:
.L_overlay_start_1:
0x0: {  	(tag) =	ssettag $0x1  }
0x1: {  	s4 =	rddreg [dreg:$0x0]  }
0x2: {  	s21 =	rddreg [dreg:$0x1]  }
0x3: {  	s20 =	rddreg [dreg:$0x2]  }
0x4: {  	s0 =	srdreg.scid;
	s2 =	stileid.u32  }
0x5: {  	s1 =	rddreg [dreg:$0x3];
	s7 =	smul.u32 $0x50000, s2  }
0x6: {  	s3 =	simm.s32 $0x0;
	s25 =	simm.s32 $0x1;
	s18 =	smul.u32 $0x4E80, s2  }
0x7: {  	s26 =	simm.s32 $0x0;
	s5 =	sand.u32 $0x1, s0;
	s23 =	smul.u32 $0x14000, s2  }
0x8: {  	[smem:$0x7FF] =	sst s3;
	s19 =	sadd.s32 $0xF2C00, s4;
	s6 =	smul.u32 $0x28000, s5  }
0x9: {  	_ =	strace $0x8000004A;
	s30 =	ssub.s32 $0x2, s5;
	s17 =	smul.u32 $0x4E800, s5  }
0xa: {  	s22 =	smul.u32 $0x140000, s5;
	s8 =	sshrl.u32 s30, $0x1;
	s7 =	sshrl.u32 s7, $0x2  }
0xb: {  	s12 =	sadd.s32 $0x4000, s23;
	s14 =	sadd.s32 $0x8000, s23;
	s24 =	sadd.s32 $0xC000, s23  }
0xc: {  	s6 =	sadd.s32 s6, s4;
	s8 =	ssub.s32 s30, s8;
	s4 =	sadd.s32 s7, s1  }
0xd: {  	s11 =	sadd.s32 s22, s23;
	s13 =	sadd.s32 s22, s12;
	s15 =	sadd.s32 s22, s14  }
0xe: {  	s12 =	sadd.s32 s12, s1;
	s14 =	sadd.s32 s14, s1;
	s16 =	sadd.s32 s24, s1  }
0xf: {  	s24 =	sadd.s32 s22, s24;
	s23 =	sadd.s32 $0x10000, s23;
	s18 =	sadd.s32 s18, s17  }
0x10: {  	s5 =	sadd.s32 $0xA2C00, s6;
	s6 =	smax.u32 s8, $0x1;
	s7 =	sadd.s32 $0x4000, s4  }
0x11: {  	s8 =	sadd.s32 $0x8000, s4;
	s9 =	sadd.s32 $0xC000, s4;
	s10 =	sadd.s32 $0x10000, s4  }
0x12: {  	s11 =	sshrl.u32 s11, $0x3;
	s13 =	sshrl.u32 s13, $0x3;
	s15 =	sshrl.u32 s15, $0x3  }
0x13: {  	s24 =	sshrl.u32 s24, $0x3;
	s22 =	sadd.s32 s22, s23;
	s31 =	sshrl.u32 s18, $0x3  }
0x14: {  	s18 =	sadd.s32 s23, s1;
	s23 =	simm.s32 $0x2;
	s11 =	sadd.s32 s19, s11  }
0x15: {  	s13 =	sadd.s32 s19, s13;
	s15 =	sadd.s32 s19, s15;
	s17 =	sadd.s32 s19, s24  }
0x16: {  	s22 =	sshrl.u32 s22, $0x3;
	s20 =	sadd.s32 s31, s20;
	s21 =	sadd.s32 s31, s21  }
0x17: {  	v0 =	vimm.f32 $0.0e+00;
	s24 =	simm.s32 $0x80;
	s19 =	sadd.s32 s19, s22;
	s22 =	simm.s32 $0x100  }
.LBB2_1:
0x18: {  	s28 =	simm.s32 $0x0  }
0x19: {  	s29 =	sand.u32 $0xFFFFFF80, s28  }
0x1a: {  	s29 =	ssub.s32 $0x0, s29  }
0x1b: {  	s28 =	sand.u32 $0x3FFFFF80, s28;
	s29 =	sand.u32 $0xFFFFFF80, s29  }
0x1c: {  	s30 =	sand.u32 $0x70, s3;
	s29 =	sadd.s32 s29, s28  }
0x1d: {  	s28 =	simm.s32 $0x1;
	s30 =	sor.u32 s30, s29;
	s29 =	simm.s32 $0x0  }
.LBB2_2:
0x1e: {  	s31 =	sshll.u32 s28, $0x4;
	p0 =	sne.s32 s28, $0x3FF;
	s28 =	sadd.s32 $0x1, s28;
	[tilespmem:s30+$0x100] =	vst v0  }
.Ltmp0:
0x1f: {  	s29 =	sadd.s32 $0x10, s29;
	s30 =	sand.u32 $0xFFFFFF80, s31;
	(pc) =	sbr.rel @p0 .LBB2_2-.Ltmp0, $4  }
0x20: {  	s30 =	ssub.s32 s29, s30  }
0x21: {  	s31 =	sand.u32 $0x3FFFFF80, s31;
	s30 =	sand.u32 $0xFFFFFF80, s30  }
0x22: {  	s0 =	sand.u32 $0x70, s29;
	s30 =	sadd.s32 s30, s31  }
0x23: {  	s30 =	sor.u32 s0, s30  }
0x24: {  	[tilespmem:s30+$0x100] =	vst v0  }
0x25: {  	[spmem:s4] =	stream.linear.scatter [tilespmem:s22], [sflag:$0x2], $0x4000, $0x38;
	[tilespmem:$0x18100] =	vst v63  }
0x26: {  	_ =	swait.ge [sflag:s23], $0x4000  }
0x27: {  	[sflag:s23] =	ssyncset.done $0x0  }
0x28: {  	[sflag:s23] =	ssyncadd.s32 $0xFFFFC000  }
0x29: {  	[spmem:s7] =	stream.linear.scatter [tilespmem:s22], [sflag:$0x2], $0x4000, $0x38;
	[tilespmem:$0x18100] =	vst v63  }
0x2a: {  	_ =	swait.ge [sflag:s23], $0x4000  }
0x2b: {  	[sflag:s23] =	ssyncset.done $0x0  }
0x2c: {  	[sflag:s23] =	ssyncadd.s32 $0xFFFFC000  }
0x2d: {  	[spmem:s8] =	stream.linear.scatter [tilespmem:s22], [sflag:$0x2], $0x4000, $0x38;
	[tilespmem:$0x18100] =	vst v63  }
0x2e: {  	_ =	swait.ge [sflag:s23], $0x4000  }
0x2f: {  	[sflag:s23] =	ssyncset.done $0x0  }
0x30: {  	[sflag:s23] =	ssyncadd.s32 $0xFFFFC000  }
0x31: {  	[spmem:s9] =	stream.linear.scatter [tilespmem:s22], [sflag:$0x2], $0x4000, $0x38;
	[tilespmem:$0x18100] =	vst v63  }
0x32: {  	_ =	swait.ge [sflag:s23], $0x4000  }
0x33: {  	[sflag:s23] =	ssyncset.done $0x0  }
0x34: {  	[sflag:s23] =	ssyncadd.s32 $0xFFFFC000  }
0x35: {  	[spmem:s10] =	stream.linear.scatter [tilespmem:s22], [sflag:$0x2], $0x4000, $0x38;
	[tilespmem:$0x18100] =	vst v63  }
0x36: {  	_ =	swait.ge [sflag:s23], $0x4000  }
0x37: {  	[sflag:s23] =	ssyncset.done $0x0  }
0x38: {  	[sflag:s23] =	ssyncadd.s32 $0xFFFFC000  }
0x39: {  	s0 =	sadd.s32 $0x0, s21;
	[bflag:$0x0] =	sbarrier.arrive $0xFFFF  }
0x3a: {  	[tilespmem:s3], [sflag:$0x2] =	stream.linear.gather [hbm4b:s0+s3], $0x80, $0x38;
	[tilespmem:$0x18100] =	vst v63  }
0x3b: {  	_ =	swait.ge [sflag:s23], $0x80  }
0x3c: {  	[sflag:s23] =	ssyncset.done $0x0  }
0x3d: {  	s31 =	sadd.s32 $0x0, s20;
	[sflag:s23] =	ssyncadd.s32 $0xFFFFFF80  }
0x3e: {  	[tilespmem:s24], [sflag:$0x2] =	stream.linear.gather [hbm4b:s31+s3], $0x80, $0x38;
	[tilespmem:$0x18100] =	vst v63  }
0x3f: {  	_ =	swait.ge [sflag:s23], $0x80  }
0x40: {  	[sflag:s23] =	ssyncset.done $0x0  }
0x41: {  	[sflag:s23] =	ssyncadd.s32 $0xFFFFFF80  }
0x42: {  	[tilespmem:s22], [sflag:$0x1] =	stream.indirect.gather [hbm4b:s5+s24], $0x80, s3, s24, $0xb8;
	[tilespmem:$0x18100] =	vst v63  }
0x43: {  	_ =	swait.ge [sflag:s25], $0x4000  }
0x44: {  	[sflag:s25] =	ssyncset.done $0x0  }
0x45: {  	[sflag:s25] =	ssyncadd.s32 $0xFFFFC000  }
0x46: {  	[spmem:s1] =	stream.indirect.scatter.add.f32 [tilespmem:s22], [sflag:$0x2], $0x80, s24, s24, $0xb8;
	[tilespmem:$0x18100] =	vst v63  }
0x47: {  	_ =	swait.ge [sflag:s23], $0x4000  }
0x48: {  	s28 =	simm.s32 $0x10;
	s29 =	simm.s32 $0x20;
	[sflag:s23] =	ssyncset.done $0x0  }
.LBB2_4:
0x49: {  	s0 =	sadd.s32 s28, s21  }
0x4a: {  	[sflag:s23] =	ssyncadd.s32 $0xFFFFC000;
	s30 =	smov.u32 s29;
	s31 =	sadd.s32 $0x10, s29  }
0x4b: {  	[tilespmem:s3], [sflag:$0x2] =	stream.linear.gather [hbm4b:s0+s3], $0x80, $0x38;
	[tilespmem:$0x18100] =	vst v63  }
0x4c: {  	p0 =	sne.s32 s29, $0x9C0;
	_ =	swait.ge [sflag:s23], $0x80  }
0x4d: {  	[sflag:s23] =	ssyncset.done $0x0  }
0x4e: {  	s0 =	sadd.s32 s28, s20;
	s28 =	smov.u32 s30;
	[sflag:s23] =	ssyncadd.s32 $0xFFFFFF80  }
0x4f: {  	[tilespmem:s24], [sflag:$0x2] =	stream.linear.gather [hbm4b:s0+s3], $0x80, $0x38;
	[tilespmem:$0x18100] =	vst v63  }
0x50: {  	_ =	swait.ge [sflag:s23], $0x80  }
0x51: {  	[sflag:s23] =	ssyncset.done $0x0  }
0x52: {  	[sflag:s23] =	ssyncadd.s32 $0xFFFFFF80  }
0x53: {  	[tilespmem:s22], [sflag:$0x1] =	stream.indirect.gather [hbm4b:s5+s24], $0x80, s3, s24, $0xb8;
	[tilespmem:$0x18100] =	vst v63  }
0x54: {  	_ =	swait.ge [sflag:s25], $0x4000  }
.Ltmp1:
0x55: {  	[sflag:s25] =	ssyncset.done $0x0;
	(pc) =	sbr.rel @p0 .LBB2_4-.Ltmp1, $4  }
0x56: {  	[sflag:s25] =	ssyncadd.s32 $0xFFFFC000  }
0x57: {  	[spmem:s1] =	stream.indirect.scatter.add.f32 [tilespmem:s22], [sflag:$0x2], $0x80, s24, s24, $0xb8;
	[tilespmem:$0x18100] =	vst v63  }
0x58: {  	_ =	swait.ge [sflag:s23], $0x4000  }
0x59: {  	s29 =	smov.u32 s31;
	[sflag:s23] =	ssyncset.done $0x0  }
0x5a: {  	s0 =	sadd.s32 s28, s21;
	[sflag:s23] =	ssyncadd.s32 $0xFFFFC000  }
0x5b: {  	[tilespmem:s3], [sflag:$0x2] =	stream.linear.gather [hbm4b:s0+s3], $0x80, $0x38;
	[tilespmem:$0x18100] =	vst v63  }
0x5c: {  	_ =	swait.ge [sflag:s23], $0x80  }
0x5d: {  	[sflag:s23] =	ssyncset.done $0x0  }
0x5e: {  	s31 =	sadd.s32 s28, s20;
	[sflag:s23] =	ssyncadd.s32 $0xFFFFFF80  }
0x5f: {  	[tilespmem:s24], [sflag:$0x2] =	stream.linear.gather [hbm4b:s31+s3], $0x80, $0x38;
	[tilespmem:$0x18100] =	vst v63  }
0x60: {  	_ =	swait.ge [sflag:s23], $0x80  }
0x61: {  	[sflag:s23] =	ssyncset.done $0x0  }
0x62: {  	[sflag:s23] =	ssyncadd.s32 $0xFFFFFF80  }
0x63: {  	[tilespmem:s22], [sflag:$0x1] =	stream.indirect.gather [hbm4b:s5+s24], $0x80, s3, s24, $0xb8;
	[tilespmem:$0x18100] =	vst v63  }
0x64: {  	_ =	swait.ge [sflag:s25], $0x4000  }
0x65: {  	[sflag:s25] =	ssyncset.done $0x0  }
0x66: {  	[sflag:s25] =	ssyncadd.s32 $0xFFFFC000  }
0x67: {  	[spmem:s1] =	stream.indirect.scatter.add.f32 [tilespmem:s22], [sflag:$0x2], $0x80, s24, s24, $0xb8;
	[tilespmem:$0x18100] =	vst v63  }
0x68: {  	_ =	swait.ge [sflag:s23], $0x4000  }
0x69: {  	[sflag:s23] =	ssyncset.done $0x0  }
0x6a: {  	[sflag:s23] =	ssyncadd.s32 $0xFFFFC000  }
0x6b: {  	[bflag:$0x0] =	sbarrier.arrive $0xFFFF  }
0x6c: {  	[tilespmem:s22], [sflag:$0x2] =	stream.linear.gather [spmem:s4], $0x4000, $0x38;
	[tilespmem:$0x18100] =	vst v63  }
0x6d: {  	_ =	swait.ge [sflag:s23], $0x4000  }
0x6e: {  	[sflag:s23] =	ssyncset.done $0x0  }
0x6f: {  	[sflag:s23] =	ssyncadd.s32 $0xFFFFC000  }
0x70: {  	[hbm4b:s11+s3] =	stream.linear.scatter [tilespmem:s22], [sflag:$0x2], $0x4000, $0x38;
	[tilespmem:$0x18100] =	vst v63  }
0x71: {  	_ =	swait.ge [sflag:s23], $0x4000  }
0x72: {  	[sflag:s23] =	ssyncset.done $0x0  }
0x73: {  	[sflag:s23] =	ssyncadd.s32 $0xFFFFC000  }
0x74: {  	[tilespmem:s22], [sflag:$0x2] =	stream.linear.gather [spmem:s12], $0x4000, $0x38;
	[tilespmem:$0x18100] =	vst v63  }
0x75: {  	_ =	swait.ge [sflag:s23], $0x4000  }
0x76: {  	[sflag:s23] =	ssyncset.done $0x0  }
0x77: {  	[sflag:s23] =	ssyncadd.s32 $0xFFFFC000  }
0x78: {  	[hbm4b:s13+s3] =	stream.linear.scatter [tilespmem:s22], [sflag:$0x2], $0x4000, $0x38;
	[tilespmem:$0x18100] =	vst v63  }
0x79: {  	_ =	swait.ge [sflag:s23], $0x4000  }
0x7a: {  	[sflag:s23] =	ssyncset.done $0x0  }
0x7b: {  	[sflag:s23] =	ssyncadd.s32 $0xFFFFC000  }
0x7c: {  	[tilespmem:s22], [sflag:$0x2] =	stream.linear.gather [spmem:s14], $0x4000, $0x38;
	[tilespmem:$0x18100] =	vst v63  }
0x7d: {  	_ =	swait.ge [sflag:s23], $0x4000  }
0x7e: {  	[sflag:s23] =	ssyncset.done $0x0  }
0x7f: {  	[sflag:s23] =	ssyncadd.s32 $0xFFFFC000  }
0x80: {  	[hbm4b:s15+s3] =	stream.linear.scatter [tilespmem:s22], [sflag:$0x2], $0x4000, $0x38;
	[tilespmem:$0x18100] =	vst v63  }
0x81: {  	_ =	swait.ge [sflag:s23], $0x4000  }
0x82: {  	[sflag:s23] =	ssyncset.done $0x0  }
0x83: {  	[sflag:s23] =	ssyncadd.s32 $0xFFFFC000  }
0x84: {  	[tilespmem:s22], [sflag:$0x2] =	stream.linear.gather [spmem:s16], $0x4000, $0x38;
	[tilespmem:$0x18100] =	vst v63  }
0x85: {  	_ =	swait.ge [sflag:s23], $0x4000  }
0x86: {  	[sflag:s23] =	ssyncset.done $0x0  }
0x87: {  	[sflag:s23] =	ssyncadd.s32 $0xFFFFC000  }
0x88: {  	[hbm4b:s17+s3] =	stream.linear.scatter [tilespmem:s22], [sflag:$0x2], $0x4000, $0x38;
	[tilespmem:$0x18100] =	vst v63  }
0x89: {  	_ =	swait.ge [sflag:s23], $0x4000  }
0x8a: {  	[sflag:s23] =	ssyncset.done $0x0  }
0x8b: {  	[sflag:s23] =	ssyncadd.s32 $0xFFFFC000  }
0x8c: {  	[tilespmem:s22], [sflag:$0x2] =	stream.linear.gather [spmem:s18], $0x4000, $0x38;
	[tilespmem:$0x18100] =	vst v63  }
0x8d: {  	s26 =	sadd.s32 $0x1, s26;
	_ =	swait.ge [sflag:s23], $0x4000  }
0x8e: {  	p0 =	sne.s32 s26, s6;
	[sflag:s23] =	ssyncset.done $0x0  }
.Ltmp2:
0x8f: {  	[sflag:s23] =	ssyncadd.s32 $0xFFFFC000;
	(pc) =	sbr.rel @p0 .LBB2_1-.Ltmp2, $4  }
0x90: {  	[hbm4b:s19+s3] =	stream.linear.scatter [tilespmem:s22], [sflag:$0x2], $0x4000, $0x38;
	[tilespmem:$0x18100] =	vst v63  }
0x91: {  	_ =	swait.ge [sflag:s23], $0x4000  }
0x92: {  	[sflag:s23] =	ssyncset.done $0x0  }
0x93: {  	[sflag:s23] =	ssyncadd.s32 $0xFFFFC000  }
0x94: {  	_ =	sfence.sel $0x180000  }
0x95: {  	[bflag:$0x0] =	sbarrier.arrive $0xFFFF  }
0x96: {  	_ =	strace $0x9000004A  }
0x97: {  	[bflag:$0x2] =	sbarrier.arrive $0xFFFF  }
0x98: {  	p0 =	sne.s32 s2, $0x0;
	s0 =	rddreg [dreg:$0x4]  }
0x99: {  	s0 =	sadd.s32 @!p0 $0x100000, s0  }
0x9a: {  	[sflag:s0] =	ssyncadd.tile.s32 @!p0 $0x1;
	_ =	shalt  }
.Lfunc_end2:
_tile_overlayer_lowered:
.L_overlay_start_2:
0x9b: {  	(tag) =	ssettag $0x2  }
0x9c: {  	s0 =	rddreg [dreg:$0x0];
	s2 =	stileid.u32  }
0x9d: {  	s1 =	rddreg [dreg:$0x1];
	p0 =	sne.s32 s2, $0x0  }
0x9e: {  	s3 =	rddreg [dreg:$0x2];
	[bflag:$0x3] =	sbarrier.arrive $0xFFFF;
	s2 =	simm.s32 @!p0 $0x1C02  }
0x9f: {  	[timem:s3], [sflag:s2] =	dma.local @!p0 [hbm:s0], s1  }
0xa0: {  	s0 =	simm.s32 @!p0 $0x2  }
0xa1: {  	_ =	swait.ge @!p0 [sflag:s0], s1  }
0xa2: {  	s1 =	ssub.s32 @!p0 $0x0, s1;
	[sflag:s0] =	ssyncset.done @!p0 $0x0  }
0xa3: {  	[sflag:s0] =	ssyncadd.s32 @!p0 s1  }
0xa4: {  	[bflag:$0x3] =	sbarrier.arrive $0xFFFF  }
0xa5: {  	_ =	shalt  }

// kernel: kernel.15.cloned.1.call-start
scs
__scs_entry_jumppad:
0x0: {  	(pc) =	sbr.rel $0x88, $3  }
0x1: {  	(tag) =	ssettag $0x0;
	lr =	simm.s32 $0x1  }
0x2: {  	[smem:$0x3F99] =	sst lr;
	_ =	strace $0xD0000000  }
0x3: {  	_ = 	snop  }
0x4: {  	_ = 	snop  }
0x5: {  	_ = 	snop  }
0x6: {  	_ = 	snop  }
0x7: {  	_ = 	snop  }
__scs_overlays_trampoline_lowered:
0x8: {  	[smem:$0x3FA8] =	sst s0  }
0x9: {  	[smem:$0x3FA9] =	sst s1  }
0xa: {  	[smem:$0x3FAA] =	sst s2  }
0xb: {  	[smem:$0x3FAB] =	sst s3  }
0xc: {  	[smem:$0x3FAC] =	sst s4  }
0xd: {  	[smem:$0x3FAD] =	sst s5  }
0xe: {  	[smem:$0x3FAE] =	sst s6  }
0xf: {  	[smem:$0x3FAF] =	sst s7  }
0x10: {  	[smem:$0x3FB0] =	sst s8  }
0x11: {  	[smem:$0x3FB1] =	sst s9;
	s0 =	simm.s32 @!p0 $0x0  }
0x12: {  	s1 =	sld [smem:$0x3F97];
	s0 =	simm.s32 @p0 $0x1  }
0x13: {  	[smem:$0x3FB2] =	sst s0;
	s0 =	simm.s32 @!p1 $0x0  }
0x14: {  	s2 =	sld [smem:$0x3F96];
	s0 =	simm.s32 @p1 $0x1  }
0x15: {  	[smem:$0x3FB3] =	sst s0;
	s0 =	simm.s32 @!p2 $0x0  }
0x16: {  	s3 =	sld [smem:$0x3FDB];
	s0 =	simm.s32 @p2 $0x1  }
0x17: {  	s4 =	simm.s32 $0x1BF5;
	[smem:$0x3FB5] =	sst s0  }
0x18: {  	s0 =	sld [smem:$0x3F98];
	_ =	swait.ge [sflag:s4], $0x0  }
0x19: {  	s7 =	sld [smem:$0x3F99]  }
0x1a: {  	s8 =	sadd.s32 $0xFFFFE003, lr  }
0x1b: {  	s9 =	sadd.s32 $0xFFFFFEF7, lr;
	s5 =	simm.s32 $0xFFFFFFFF;
	p2 =	slt.u32 s8, $0xFFFFF086  }
0x1c: {  	p1 =	slt.u32 s9, $0xF7A;
	s5 =	simm.s32 @!p2 $0x0  }
0x1d: {  	s5 =	simm.s32 @p1 $0x1;
	p0 =	seq.s32 s7, s2  }
0x1e: {  	s7 =	smul.u32 @!p0 $0xF7A, s2;
	p2 =	seq.s32 @!p0 s5, $0x0  }
0x1f: {  	s9 =	smul.u32 $0xF7A, s1;
	s8 =	simm.s32 @!p0 $0x1BF5;
	p2 =	por !p2, p0  }
0x20: {  	[sflag:s8] =	ssyncset.s32 @!p0 $0xFFFFF086;
	s6 =	sadd.s32 @!p0 s3, s7;
	s7 =	simm.s32 @!p0 $0x108  }
0x21: {  	s3 =	sadd.s32 s3, s9;
	s6 =	sadd.s32 @!p0 $0x88, s6;
	s7 =	simm.s32 @p2 $0x1082  }
0x22: {  	[simem:s7], [sflag:s8] =	dma.local @!p0 [hbm:s6], $0xF7A  }
0x23: {  	s9 =	sor.u32 $0xD0000000, s2;
	s6 =	simm.s32 $0x108;
	_ =	swait.ge @!p0 [sflag:s8], $0x0  }
0x24: {  	s3 =	sadd.s32 $0x88, s3;
	s6 =	simm.s32 @!p1 $0x1082;
	[sflag:s4] =	ssyncset.s32 $0xFFFFF086  }
0x25: {  	[simem:s6], [sflag:s4] =	dma.local [hbm:s3], $0xF7A  }
0x26: {  	[smem:$0x3F99] =	sst s1;
	(tag) =	ssettag s2;
	_ =	strace s9  }
0x27: {  	s1 =	sld [smem:$0x3FA9]  }
0x28: {  	s2 =	sld [smem:$0x3FAA]  }
0x29: {  	s4 =	sld [smem:$0x3FAC]  }
0x2a: {  	p0 =	seq.s32 s5, $0x0;
	s5 =	sld [smem:$0x3FAD]  }
0x2b: {  	s6 =	sld [smem:$0x3FAE]  }
0x2c: {  	s7 =	sld [smem:$0x3FAF]  }
0x2d: {  	s3 =	simm.s32 $0x108;
	s8 =	sld [smem:$0x3FB0]  }
0x2e: {  	s3 =	simm.s32 @!p0 $0x1082;
	s9 =	sld [smem:$0x3FB1]  }
0x2f: {  	lr =	sadd.s32 s0, s3;
	s0 =	sld [smem:$0x3FA8]  }
0x30: {  	s3 =	sld [smem:$0x3FAB]  }
0x31: {  	[smem:$0x3FB4] =	sst s10  }
0x32: {  	s10 =	sld [smem:$0x3FB2];
	_ =	sdelay $0x3  }
0x33: {  	p0 =	seq.s32 s10, $0x1;
	s10 =	sld [smem:$0x3FB4];
	_ =	sdelay $0x3  }
0x34: {  	[smem:$0x3FB4] =	sst s10  }
0x35: {  	s10 =	sld [smem:$0x3FB3];
	_ =	sdelay $0x3  }
0x36: {  	p1 =	seq.s32 s10, $0x1;
	s10 =	sld [smem:$0x3FB4];
	_ =	sdelay $0x3  }
0x37: {  	[smem:$0x3FB4] =	sst s10  }
0x38: {  	s10 =	sld [smem:$0x3FB5]  }
0x39: {  	_ = 	snop;
	(pc) =	sbr.ind lr, $3  }
0x3a: {  	_ = 	snop  }
0x3b: {  	_ = 	snop  }
0x3c: {  	p2 =	seq.s32 s10, $0x1;
	s10 =	sld [smem:$0x3FB4]  }
0x3d: {  	_ =	shalt  }
0x3e: {  	_ =	shalt  }
0x3f: {  	_ =	shalt  }
0x40: {  	_ =	shalt  }
0x41: {  	_ =	shalt  }
0x42: {  	_ =	shalt  }
0x43: {  	_ =	shalt  }
0x44: {  	_ =	shalt  }
0x45: {  	_ =	shalt  }
0x46: {  	_ =	shalt  }
0x47: {  	_ =	shalt  }
0x48: {  	_ =	shalt  }
0x49: {  	_ =	shalt  }
0x4a: {  	_ =	shalt  }
0x4b: {  	_ =	shalt  }
0x4c: {  	_ =	shalt  }
0x4d: {  	_ =	shalt  }
0x4e: {  	_ =	shalt  }
0x4f: {  	_ =	shalt  }
0x50: {  	_ =	shalt  }
0x51: {  	_ =	shalt  }
0x52: {  	_ =	shalt  }
0x53: {  	_ =	shalt  }
0x54: {  	_ =	shalt  }
0x55: {  	_ =	shalt  }
0x56: {  	_ =	shalt  }
0x57: {  	_ =	shalt  }
0x58: {  	_ =	shalt  }
0x59: {  	_ =	shalt  }
0x5a: {  	_ =	shalt  }
0x5b: {  	_ =	shalt  }
0x5c: {  	_ =	shalt  }
0x5d: {  	_ =	shalt  }
0x5e: {  	_ =	shalt  }
0x5f: {  	_ =	shalt  }
0x60: {  	_ =	shalt  }
0x61: {  	_ =	shalt  }
0x62: {  	_ =	shalt  }
0x63: {  	_ =	shalt  }
0x64: {  	_ =	shalt  }
0x65: {  	_ =	shalt  }
0x66: {  	_ =	shalt  }
0x67: {  	_ =	shalt  }
0x68: {  	_ =	shalt  }
0x69: {  	_ =	shalt  }
0x6a: {  	_ =	shalt  }
0x6b: {  	_ =	shalt  }
0x6c: {  	_ =	shalt  }
0x6d: {  	_ =	shalt  }
0x6e: {  	_ =	shalt  }
0x6f: {  	_ =	shalt  }
0x70: {  	_ =	shalt  }
0x71: {  	_ =	shalt  }
0x72: {  	_ =	shalt  }
0x73: {  	_ =	shalt  }
0x74: {  	_ =	shalt  }
0x75: {  	_ =	shalt  }
0x76: {  	_ =	shalt  }
0x77: {  	_ =	shalt  }
0x78: {  	_ =	shalt  }
0x79: {  	_ =	shalt  }
0x7a: {  	_ =	shalt  }
0x7b: {  	_ =	shalt  }
0x7c: {  	_ =	shalt  }
0x7d: {  	_ =	shalt  }
0x7e: {  	_ =	shalt  }
0x7f: {  	_ =	shalt  }
0x80: {  	_ =	shalt  }
0x81: {  	_ =	shalt  }
0x82: {  	_ =	shalt  }
0x83: {  	_ =	shalt  }
0x84: {  	_ =	shalt  }
0x85: {  	_ =	shalt  }
0x86: {  	_ =	shalt  }
0x87: {  	_ =	shalt  }
.Lfunc_end0:
.L_simem_size_0:
called_computation.2_lowered:
.L_overlay_start_0:
0x88: {  	s2 =	sld [smem:$0x3FD9]  }
0x89: {  	s3 =	sld [smem:$0x3FFE];
	_ =	sdelay $0x1  }
0x8a: {  	s1 =	srdreg.scid  }
0x8b: {  	s0 =	sand.u32 $0x1, s1  }
0x8c: {  	s14 =	sshll.u32 s0, $0xA;
	s2 =	sadd.s32 s3, s2  }
0x8d: {  	s2 =	sadd.s32 s2, s14  }
0x8e: {  	[smem:$0x3FC0] =	sst s2  }
0x8f: {  	_ = 	snop  }
0x90: {  	s2 =	sld [smem:$0x3FD0];
	_ =	sdelay $0x2  }
0x91: {  	s15 =	simm.s32 $0xA;
	s4 =	simm.s32 $0x10  }
0x92: {  	[smem:s4], [sflag:s15] =	dma.local [hbm:s2], $0x1  }
0x93: {  	_ =	swait.eq [sflag:s15], $0x1  }
0x94: {  	[sflag:s15] =	ssyncset.done $0x0  }
0x95: {  	s16 =	sld [smem:$0x12];
	[sflag:s15] =	ssyncadd.s32 $0xFFFFFFFF  }
0x96: {  	s17 =	sld [smem:$0x13];
	(tm) =	ssettm $0x1  }
0x97: {  	s18 =	sld [smem:$0x3FFB];
	_ =	sdelay $0x3  }
0x98: {  	_ =	strace s18  }
0x99: {  	s4 =	sld [smem:$0x3FFC];
	_ =	sdelay $0x3  }
0x9a: {  	_ =	strace s4  }
0x9b: {  	s4 =	sld [smem:$0x3FFD];
	_ =	sdelay $0x3  }
0x9c: {  	_ =	strace s4  }
0x9d: {  	_ =	strace $0x8FFFFFFF  }
0x9e: {  	s19 =	sld [smem:$0x3FDB];
	_ =	sdelay $0x1  }
0x9f: {  	s5 =	simm.s32 $_scs_section_size  }
0xa0: {  	s6 =	simm.s32 $_size__tile_overlayer_lowered;
	s7 =	simm.s32 $_tile_overlayer_lowered  }
0xa1: {  	s22 =	simm.s32 $0x1BFF;
	s21 =	sshll.u32 s7, $0x1;
	s4 =	sadd.s32 s5, s19  }
0xa2: {  	s8 =	simm.s32 $0x0;
	s20 =	sshll.u32 s6, $0x1;
	s6 =	sadd.s32 s21, s4  }
0xa3: {  	[timem:s8], [sflag:s22] =	dma.local [hbm:s6], s20  }
0xa4: {  	_ =	swait.ge [sflag:s22], s20  }
0xa5: {  	s5 =	ssub.s32 $0x0, s20;
	[sflag:s22] =	ssyncset.done $0x0  }
0xa6: {  	[sflag:s22] =	ssyncadd.s32 s5;
	_ =	sdelay $0x1  }
0xa7: {  	s23 =	simm.s32 $0x1B8B  }
0xa8: {  	_ =	swait.ge [sflag:s23], $0x1  }
0xa9: {  	[sflag:s23] =	ssyncset.done $0x0  }
0xaa: {  	s25 =	simm.s32 $0x1B8E;
	s24 =	sld [smem:$0x3FFE];
	[sflag:s23] =	ssyncadd.s32 $0xFFFFFFFF  }
0xab: {  	s26 =	simm.s32 $execute0_lowered;
	[smem:$0x3FD2] =	sst s25  }
0xac: {  	s6 =	sshll.u32 s26, $0x1;
	_ =	strace $0x8000004C;
	[dreg:$0x1] =	wrdreg $0xFFFFFFFF  }
0xad: {  	s28 =	simm.s32 $_size_execute0_lowered;
	s4 =	sadd.s32 s4, s6;
	[dreg:$0x0] =	wrdreg $0x0  }
0xae: {  	s6 =	sshll.u32 s28, $0x1;
	[dreg:$0x2] =	wrdreg s4  }
0xaf: {  	[dreg:$0x3] =	wrdreg s6  }
0xb0: {  	[dreg:$0x4] =	wrdreg $0xC0  }
0xb1: {  	_ =	task [dreg:s8], $0x5FFFF  }
0xb2: {  	[dreg:$0x1] =	wrdreg $0xFFFFFFFF  }
0xb3: {  	[dreg:$0x0] =	wrdreg $0x60  }
0xb4: {  	[dreg:$0x2] =	wrdreg s24  }
0xb5: {  	[dreg:$0x3] =	wrdreg s16  }
0xb6: {  	[dreg:$0x4] =	wrdreg s17  }
0xb7: {  	[dreg:$0x5] =	wrdreg $0x41000  }
0xb8: {  	[dreg:$0x6] =	wrdreg $0x9  }
0xb9: {  	_ =	task.clear_ibuf [dreg:s8], $0x7FFFF;
	_ =	strace $0x9000004C  }
0xba: {  	s29 =	simm.s32 $0x9;
	_ =	strace $0x8000004E  }
0xbb: {  	_ =	swait.ge [sflag:s29], $0x1  }
0xbc: {  	[sflag:s29] =	ssyncadd.s32 $0xFFFFFFFF  }
0xbd: {  	_ =	strace $0x9000004E  }
0xbe: {  	_ =	sfence  }
0xbf: {  	s30 =	sld [smem:$0x0];
	_ =	sdelay $0x2  }
0xc0: {  	s31 =	sshll.u32 s1, $0xD;
	s1 =	sshrl.u32 s1, $0x2  }
0xc1: {  	s3 =	sand.u32 $0x4000, s31;
	s1 =	sadd.s32 s1, s30  }
0xc2: {  	s0 =	sor.u32 s3, s0;
	s1 =	sshll.u32 s1, $0x11  }
0xc3: {  	s0 =	sor.u32 s1, s0  }
0xc4: {  	s0 =	sadd.s32 $0x8F2B, s0  }
0xc5: {  	[sflag:s0] =	ssyncadd.remote.s32 $0x1  }
0xc6: {  	_ =	sfence.sel $0xFFFF  }
0xc7: {  	[dreg:$0x0] =	wrdreg $0xFFFFFFFF;
	(pc) =	sbr.abs _section_cstart, $3  }
0xc8: {  	[dreg:$0x1] =	wrdreg $0xFFFFFFFF  }
0xc9: {  	_ =	task.clear_ibuf [dreg:s8], $0x2FFFF;
	_ =	strace $0x9FFFFFFF  }
0xca: {  	(tm) =	ssettm $0x7FFFFFFF  }
0xcb: {  	_ =	shalt  }
tec
execute0_lowered:
.L_overlay_start_1:
0x0: {  	(tag) =	ssettag $0x1  }
0x1: {  	s4 =	rddreg [dreg:$0x0]  }
0x2: {  	s21 =	rddreg [dreg:$0x1]  }
0x3: {  	s20 =	rddreg [dreg:$0x2]  }
0x4: {  	s0 =	srdreg.scid;
	s2 =	stileid.u32  }
0x5: {  	s1 =	rddreg [dreg:$0x3];
	s7 =	smul.u32 $0x50000, s2  }
0x6: {  	s3 =	simm.s32 $0x0;
	s25 =	simm.s32 $0x1;
	s18 =	smul.u32 $0x4E80, s2  }
0x7: {  	s26 =	simm.s32 $0x0;
	s5 =	sand.u32 $0x1, s0;
	s23 =	smul.u32 $0x14000, s2  }
0x8: {  	[smem:$0x7FF] =	sst s3;
	s19 =	sadd.s32 $0xF2C00, s4;
	s6 =	smul.u32 $0x28000, s5  }
0x9: {  	_ =	strace $0x8000004D;
	s30 =	ssub.s32 $0x2, s5;
	s17 =	smul.u32 $0x4E800, s5  }
0xa: {  	s22 =	smul.u32 $0x140000, s5;
	s8 =	sshrl.u32 s30, $0x1;
	s7 =	sshrl.u32 s7, $0x2  }
0xb: {  	s12 =	sadd.s32 $0x4000, s23;
	s14 =	sadd.s32 $0x8000, s23;
	s24 =	sadd.s32 $0xC000, s23  }
0xc: {  	s6 =	sadd.s32 s6, s4;
	s8 =	ssub.s32 s30, s8;
	s4 =	sadd.s32 s7, s1  }
0xd: {  	s11 =	sadd.s32 s22, s23;
	s13 =	sadd.s32 s22, s12;
	s15 =	sadd.s32 s22, s14  }
0xe: {  	s12 =	sadd.s32 s12, s1;
	s14 =	sadd.s32 s14, s1;
	s16 =	sadd.s32 s24, s1  }
0xf: {  	s24 =	sadd.s32 s22, s24;
	s23 =	sadd.s32 $0x10000, s23;
	s18 =	sadd.s32 s18, s17  }
0x10: {  	s5 =	sadd.s32 $0x52C00, s6;
	s6 =	smax.u32 s8, $0x1;
	s7 =	sadd.s32 $0x4000, s4  }
0x11: {  	s8 =	sadd.s32 $0x8000, s4;
	s9 =	sadd.s32 $0xC000, s4;
	s10 =	sadd.s32 $0x10000, s4  }
0x12: {  	s11 =	sshrl.u32 s11, $0x3;
	s13 =	sshrl.u32 s13, $0x3;
	s15 =	sshrl.u32 s15, $0x3  }
0x13: {  	s24 =	sshrl.u32 s24, $0x3;
	s22 =	sadd.s32 s22, s23;
	s31 =	sshrl.u32 s18, $0x3  }
0x14: {  	s18 =	sadd.s32 s23, s1;
	s23 =	simm.s32 $0x2;
	s11 =	sadd.s32 s19, s11  }
0x15: {  	s13 =	sadd.s32 s19, s13;
	s15 =	sadd.s32 s19, s15;
	s17 =	sadd.s32 s19, s24  }
0x16: {  	s22 =	sshrl.u32 s22, $0x3;
	s20 =	sadd.s32 s31, s20;
	s21 =	sadd.s32 s31, s21  }
0x17: {  	v0 =	vimm.f32 $0.0e+00;
	s24 =	simm.s32 $0x80;
	s19 =	sadd.s32 s19, s22;
	s22 =	simm.s32 $0x100  }
.LBB2_1:
0x18: {  	s28 =	simm.s32 $0x0  }
0x19: {  	s29 =	sand.u32 $0xFFFFFF80, s28  }
0x1a: {  	s29 =	ssub.s32 $0x0, s29  }
0x1b: {  	s28 =	sand.u32 $0x3FFFFF80, s28;
	s29 =	sand.u32 $0xFFFFFF80, s29  }
0x1c: {  	s30 =	sand.u32 $0x70, s3;
	s29 =	sadd.s32 s29, s28  }
0x1d: {  	s28 =	simm.s32 $0x1;
	s30 =	sor.u32 s30, s29;
	s29 =	simm.s32 $0x0  }
.LBB2_2:
0x1e: {  	s31 =	sshll.u32 s28, $0x4;
	p0 =	sne.s32 s28, $0x3FF;
	s28 =	sadd.s32 $0x1, s28;
	[tilespmem:s30+$0x100] =	vst v0  }
.Ltmp0:
0x1f: {  	s29 =	sadd.s32 $0x10, s29;
	s30 =	sand.u32 $0xFFFFFF80, s31;
	(pc) =	sbr.rel @p0 .LBB2_2-.Ltmp0, $4  }
0x20: {  	s30 =	ssub.s32 s29, s30  }
0x21: {  	s31 =	sand.u32 $0x3FFFFF80, s31;
	s30 =	sand.u32 $0xFFFFFF80, s30  }
0x22: {  	s0 =	sand.u32 $0x70, s29;
	s30 =	sadd.s32 s30, s31  }
0x23: {  	s30 =	sor.u32 s0, s30  }
0x24: {  	[tilespmem:s30+$0x100] =	vst v0  }
0x25: {  	[spmem:s4] =	stream.linear.scatter [tilespmem:s22], [sflag:$0x2], $0x4000, $0x38;
	[tilespmem:$0x18100] =	vst v63  }
0x26: {  	_ =	swait.ge [sflag:s23], $0x4000  }
0x27: {  	[sflag:s23] =	ssyncset.done $0x0  }
0x28: {  	[sflag:s23] =	ssyncadd.s32 $0xFFFFC000  }
0x29: {  	[spmem:s7] =	stream.linear.scatter [tilespmem:s22], [sflag:$0x2], $0x4000, $0x38;
	[tilespmem:$0x18100] =	vst v63  }
0x2a: {  	_ =	swait.ge [sflag:s23], $0x4000  }
0x2b: {  	[sflag:s23] =	ssyncset.done $0x0  }
0x2c: {  	[sflag:s23] =	ssyncadd.s32 $0xFFFFC000  }
0x2d: {  	[spmem:s8] =	stream.linear.scatter [tilespmem:s22], [sflag:$0x2], $0x4000, $0x38;
	[tilespmem:$0x18100] =	vst v63  }
0x2e: {  	_ =	swait.ge [sflag:s23], $0x4000  }
0x2f: {  	[sflag:s23] =	ssyncset.done $0x0  }
0x30: {  	[sflag:s23] =	ssyncadd.s32 $0xFFFFC000  }
0x31: {  	[spmem:s9] =	stream.linear.scatter [tilespmem:s22], [sflag:$0x2], $0x4000, $0x38;
	[tilespmem:$0x18100] =	vst v63  }
0x32: {  	_ =	swait.ge [sflag:s23], $0x4000  }
0x33: {  	[sflag:s23] =	ssyncset.done $0x0  }
0x34: {  	[sflag:s23] =	ssyncadd.s32 $0xFFFFC000  }
0x35: {  	[spmem:s10] =	stream.linear.scatter [tilespmem:s22], [sflag:$0x2], $0x4000, $0x38;
	[tilespmem:$0x18100] =	vst v63  }
0x36: {  	_ =	swait.ge [sflag:s23], $0x4000  }
0x37: {  	[sflag:s23] =	ssyncset.done $0x0  }
0x38: {  	[sflag:s23] =	ssyncadd.s32 $0xFFFFC000  }
0x39: {  	s0 =	sadd.s32 $0x0, s21;
	[bflag:$0x0] =	sbarrier.arrive $0xFFFF  }
0x3a: {  	[tilespmem:s3], [sflag:$0x2] =	stream.linear.gather [hbm4b:s0+s3], $0x80, $0x38;
	[tilespmem:$0x18100] =	vst v63  }
0x3b: {  	_ =	swait.ge [sflag:s23], $0x80  }
0x3c: {  	[sflag:s23] =	ssyncset.done $0x0  }
0x3d: {  	s31 =	sadd.s32 $0x0, s20;
	[sflag:s23] =	ssyncadd.s32 $0xFFFFFF80  }
0x3e: {  	[tilespmem:s24], [sflag:$0x2] =	stream.linear.gather [hbm4b:s31+s3], $0x80, $0x38;
	[tilespmem:$0x18100] =	vst v63  }
0x3f: {  	_ =	swait.ge [sflag:s23], $0x80  }
0x40: {  	[sflag:s23] =	ssyncset.done $0x0  }
0x41: {  	[sflag:s23] =	ssyncadd.s32 $0xFFFFFF80  }
0x42: {  	[tilespmem:s22], [sflag:$0x1] =	stream.indirect.gather [hbm4b:s5+s24], $0x80, s3, s24, $0xb8;
	[tilespmem:$0x18100] =	vst v63  }
0x43: {  	_ =	swait.ge [sflag:s25], $0x4000  }
0x44: {  	[sflag:s25] =	ssyncset.done $0x0  }
0x45: {  	[sflag:s25] =	ssyncadd.s32 $0xFFFFC000  }
0x46: {  	[spmem:s1] =	stream.indirect.scatter.add.f32 [tilespmem:s22], [sflag:$0x2], $0x80, s24, s24, $0xb8;
	[tilespmem:$0x18100] =	vst v63  }
0x47: {  	_ =	swait.ge [sflag:s23], $0x4000  }
0x48: {  	s28 =	simm.s32 $0x10;
	s29 =	simm.s32 $0x20;
	[sflag:s23] =	ssyncset.done $0x0  }
.LBB2_4:
0x49: {  	s0 =	sadd.s32 s28, s21  }
0x4a: {  	[sflag:s23] =	ssyncadd.s32 $0xFFFFC000;
	s30 =	smov.u32 s29;
	s31 =	sadd.s32 $0x10, s29  }
0x4b: {  	[tilespmem:s3], [sflag:$0x2] =	stream.linear.gather [hbm4b:s0+s3], $0x80, $0x38;
	[tilespmem:$0x18100] =	vst v63  }
0x4c: {  	p0 =	sne.s32 s29, $0x9C0;
	_ =	swait.ge [sflag:s23], $0x80  }
0x4d: {  	[sflag:s23] =	ssyncset.done $0x0  }
0x4e: {  	s0 =	sadd.s32 s28, s20;
	s28 =	smov.u32 s30;
	[sflag:s23] =	ssyncadd.s32 $0xFFFFFF80  }
0x4f: {  	[tilespmem:s24], [sflag:$0x2] =	stream.linear.gather [hbm4b:s0+s3], $0x80, $0x38;
	[tilespmem:$0x18100] =	vst v63  }
0x50: {  	_ =	swait.ge [sflag:s23], $0x80  }
0x51: {  	[sflag:s23] =	ssyncset.done $0x0  }
0x52: {  	[sflag:s23] =	ssyncadd.s32 $0xFFFFFF80  }
0x53: {  	[tilespmem:s22], [sflag:$0x1] =	stream.indirect.gather [hbm4b:s5+s24], $0x80, s3, s24, $0xb8;
	[tilespmem:$0x18100] =	vst v63  }
0x54: {  	_ =	swait.ge [sflag:s25], $0x4000  }
.Ltmp1:
0x55: {  	[sflag:s25] =	ssyncset.done $0x0;
	(pc) =	sbr.rel @p0 .LBB2_4-.Ltmp1, $4  }
0x56: {  	[sflag:s25] =	ssyncadd.s32 $0xFFFFC000  }
0x57: {  	[spmem:s1] =	stream.indirect.scatter.add.f32 [tilespmem:s22], [sflag:$0x2], $0x80, s24, s24, $0xb8;
	[tilespmem:$0x18100] =	vst v63  }
0x58: {  	_ =	swait.ge [sflag:s23], $0x4000  }
0x59: {  	s29 =	smov.u32 s31;
	[sflag:s23] =	ssyncset.done $0x0  }
0x5a: {  	s0 =	sadd.s32 s28, s21;
	[sflag:s23] =	ssyncadd.s32 $0xFFFFC000  }
0x5b: {  	[tilespmem:s3], [sflag:$0x2] =	stream.linear.gather [hbm4b:s0+s3], $0x80, $0x38;
	[tilespmem:$0x18100] =	vst v63  }
0x5c: {  	_ =	swait.ge [sflag:s23], $0x80  }
0x5d: {  	[sflag:s23] =	ssyncset.done $0x0  }
0x5e: {  	s31 =	sadd.s32 s28, s20;
	[sflag:s23] =	ssyncadd.s32 $0xFFFFFF80  }
0x5f: {  	[tilespmem:s24], [sflag:$0x2] =	stream.linear.gather [hbm4b:s31+s3], $0x80, $0x38;
	[tilespmem:$0x18100] =	vst v63  }
0x60: {  	_ =	swait.ge [sflag:s23], $0x80  }
0x61: {  	[sflag:s23] =	ssyncset.done $0x0  }
0x62: {  	[sflag:s23] =	ssyncadd.s32 $0xFFFFFF80  }
0x63: {  	[tilespmem:s22], [sflag:$0x1] =	stream.indirect.gather [hbm4b:s5+s24], $0x80, s3, s24, $0xb8;
	[tilespmem:$0x18100] =	vst v63  }
0x64: {  	_ =	swait.ge [sflag:s25], $0x4000  }
0x65: {  	[sflag:s25] =	ssyncset.done $0x0  }
0x66: {  	[sflag:s25] =	ssyncadd.s32 $0xFFFFC000  }
0x67: {  	[spmem:s1] =	stream.indirect.scatter.add.f32 [tilespmem:s22], [sflag:$0x2], $0x80, s24, s24, $0xb8;
	[tilespmem:$0x18100] =	vst v63  }
0x68: {  	_ =	swait.ge [sflag:s23], $0x4000  }
0x69: {  	[sflag:s23] =	ssyncset.done $0x0  }
0x6a: {  	[sflag:s23] =	ssyncadd.s32 $0xFFFFC000  }
0x6b: {  	[bflag:$0x0] =	sbarrier.arrive $0xFFFF  }
0x6c: {  	[tilespmem:s22], [sflag:$0x2] =	stream.linear.gather [spmem:s4], $0x4000, $0x38;
	[tilespmem:$0x18100] =	vst v63  }
0x6d: {  	_ =	swait.ge [sflag:s23], $0x4000  }
0x6e: {  	[sflag:s23] =	ssyncset.done $0x0  }
0x6f: {  	[sflag:s23] =	ssyncadd.s32 $0xFFFFC000  }
0x70: {  	[hbm4b:s11+s3] =	stream.linear.scatter [tilespmem:s22], [sflag:$0x2], $0x4000, $0x38;
	[tilespmem:$0x18100] =	vst v63  }
0x71: {  	_ =	swait.ge [sflag:s23], $0x4000  }
0x72: {  	[sflag:s23] =	ssyncset.done $0x0  }
0x73: {  	[sflag:s23] =	ssyncadd.s32 $0xFFFFC000  }
0x74: {  	[tilespmem:s22], [sflag:$0x2] =	stream.linear.gather [spmem:s12], $0x4000, $0x38;
	[tilespmem:$0x18100] =	vst v63  }
0x75: {  	_ =	swait.ge [sflag:s23], $0x4000  }
0x76: {  	[sflag:s23] =	ssyncset.done $0x0  }
0x77: {  	[sflag:s23] =	ssyncadd.s32 $0xFFFFC000  }
0x78: {  	[hbm4b:s13+s3] =	stream.linear.scatter [tilespmem:s22], [sflag:$0x2], $0x4000, $0x38;
	[tilespmem:$0x18100] =	vst v63  }
0x79: {  	_ =	swait.ge [sflag:s23], $0x4000  }
0x7a: {  	[sflag:s23] =	ssyncset.done $0x0  }
0x7b: {  	[sflag:s23] =	ssyncadd.s32 $0xFFFFC000  }
0x7c: {  	[tilespmem:s22], [sflag:$0x2] =	stream.linear.gather [spmem:s14], $0x4000, $0x38;
	[tilespmem:$0x18100] =	vst v63  }
0x7d: {  	_ =	swait.ge [sflag:s23], $0x4000  }
0x7e: {  	[sflag:s23] =	ssyncset.done $0x0  }
0x7f: {  	[sflag:s23] =	ssyncadd.s32 $0xFFFFC000  }
0x80: {  	[hbm4b:s15+s3] =	stream.linear.scatter [tilespmem:s22], [sflag:$0x2], $0x4000, $0x38;
	[tilespmem:$0x18100] =	vst v63  }
0x81: {  	_ =	swait.ge [sflag:s23], $0x4000  }
0x82: {  	[sflag:s23] =	ssyncset.done $0x0  }
0x83: {  	[sflag:s23] =	ssyncadd.s32 $0xFFFFC000  }
0x84: {  	[tilespmem:s22], [sflag:$0x2] =	stream.linear.gather [spmem:s16], $0x4000, $0x38;
	[tilespmem:$0x18100] =	vst v63  }
0x85: {  	_ =	swait.ge [sflag:s23], $0x4000  }
0x86: {  	[sflag:s23] =	ssyncset.done $0x0  }
0x87: {  	[sflag:s23] =	ssyncadd.s32 $0xFFFFC000  }
0x88: {  	[hbm4b:s17+s3] =	stream.linear.scatter [tilespmem:s22], [sflag:$0x2], $0x4000, $0x38;
	[tilespmem:$0x18100] =	vst v63  }
0x89: {  	_ =	swait.ge [sflag:s23], $0x4000  }
0x8a: {  	[sflag:s23] =	ssyncset.done $0x0  }
0x8b: {  	[sflag:s23] =	ssyncadd.s32 $0xFFFFC000  }
0x8c: {  	[tilespmem:s22], [sflag:$0x2] =	stream.linear.gather [spmem:s18], $0x4000, $0x38;
	[tilespmem:$0x18100] =	vst v63  }
0x8d: {  	s26 =	sadd.s32 $0x1, s26;
	_ =	swait.ge [sflag:s23], $0x4000  }
0x8e: {  	p0 =	sne.s32 s26, s6;
	[sflag:s23] =	ssyncset.done $0x0  }
.Ltmp2:
0x8f: {  	[sflag:s23] =	ssyncadd.s32 $0xFFFFC000;
	(pc) =	sbr.rel @p0 .LBB2_1-.Ltmp2, $4  }
0x90: {  	[hbm4b:s19+s3] =	stream.linear.scatter [tilespmem:s22], [sflag:$0x2], $0x4000, $0x38;
	[tilespmem:$0x18100] =	vst v63  }
0x91: {  	_ =	swait.ge [sflag:s23], $0x4000  }
0x92: {  	[sflag:s23] =	ssyncset.done $0x0  }
0x93: {  	[sflag:s23] =	ssyncadd.s32 $0xFFFFC000  }
0x94: {  	_ =	sfence.sel $0x180000  }
0x95: {  	[bflag:$0x0] =	sbarrier.arrive $0xFFFF  }
0x96: {  	_ =	strace $0x9000004D  }
0x97: {  	[bflag:$0x2] =	sbarrier.arrive $0xFFFF  }
0x98: {  	p0 =	sne.s32 s2, $0x0;
	s0 =	rddreg [dreg:$0x4]  }
0x99: {  	s0 =	sadd.s32 @!p0 $0x100000, s0  }
0x9a: {  	[sflag:s0] =	ssyncadd.tile.s32 @!p0 $0x1;
	_ =	shalt  }
.Lfunc_end2:
_tile_overlayer_lowered:
.L_overlay_start_2:
0x9b: {  	(tag) =	ssettag $0x2  }
0x9c: {  	s0 =	rddreg [dreg:$0x0];
	s2 =	stileid.u32  }
0x9d: {  	s1 =	rddreg [dreg:$0x1];
	p0 =	sne.s32 s2, $0x0  }
0x9e: {  	s3 =	rddreg [dreg:$0x2];
	[bflag:$0x3] =	sbarrier.arrive $0xFFFF;
	s2 =	simm.s32 @!p0 $0x1C02  }
0x9f: {  	[timem:s3], [sflag:s2] =	dma.local @!p0 [hbm:s0], s1  }
0xa0: {  	s0 =	simm.s32 @!p0 $0x2  }
0xa1: {  	_ =	swait.ge @!p0 [sflag:s0], s1  }
0xa2: {  	s1 =	ssub.s32 @!p0 $0x0, s1;
	[sflag:s0] =	ssyncset.done @!p0 $0x0  }
0xa3: {  	[sflag:s0] =	ssyncadd.s32 @!p0 s1  }
0xa4: {  	[bflag:$0x3] =	sbarrier.arrive $0xFFFF  }
0xa5: {  	_ =	shalt  }

// kernel: kernel.18.cloned.1.call-start
scs
__scs_entry_jumppad:
0x0: {  	(pc) =	sbr.rel $0x88, $3  }
0x1: {  	(tag) =	ssettag $0x0;
	lr =	simm.s32 $0x1  }
0x2: {  	[smem:$0x3F99] =	sst lr;
	_ =	strace $0xD0000000  }
0x3: {  	_ = 	snop  }
0x4: {  	_ = 	snop  }
0x5: {  	_ = 	snop  }
0x6: {  	_ = 	snop  }
0x7: {  	_ = 	snop  }
__scs_overlays_trampoline_lowered:
0x8: {  	[smem:$0x3FA8] =	sst s0  }
0x9: {  	[smem:$0x3FA9] =	sst s1  }
0xa: {  	[smem:$0x3FAA] =	sst s2  }
0xb: {  	[smem:$0x3FAB] =	sst s3  }
0xc: {  	[smem:$0x3FAC] =	sst s4  }
0xd: {  	[smem:$0x3FAD] =	sst s5  }
0xe: {  	[smem:$0x3FAE] =	sst s6  }
0xf: {  	[smem:$0x3FAF] =	sst s7  }
0x10: {  	[smem:$0x3FB0] =	sst s8  }
0x11: {  	[smem:$0x3FB1] =	sst s9;
	s0 =	simm.s32 @!p0 $0x0  }
0x12: {  	s1 =	sld [smem:$0x3F97];
	s0 =	simm.s32 @p0 $0x1  }
0x13: {  	[smem:$0x3FB2] =	sst s0;
	s0 =	simm.s32 @!p1 $0x0  }
0x14: {  	s2 =	sld [smem:$0x3F96];
	s0 =	simm.s32 @p1 $0x1  }
0x15: {  	[smem:$0x3FB3] =	sst s0;
	s0 =	simm.s32 @!p2 $0x0  }
0x16: {  	s3 =	sld [smem:$0x3FDB];
	s0 =	simm.s32 @p2 $0x1  }
0x17: {  	s4 =	simm.s32 $0x1BF5;
	[smem:$0x3FB5] =	sst s0  }
0x18: {  	s0 =	sld [smem:$0x3F98];
	_ =	swait.ge [sflag:s4], $0x0  }
0x19: {  	s7 =	sld [smem:$0x3F99]  }
0x1a: {  	s8 =	sadd.s32 $0xFFFFE003, lr  }
0x1b: {  	s9 =	sadd.s32 $0xFFFFFEF7, lr;
	s5 =	simm.s32 $0xFFFFFFFF;
	p2 =	slt.u32 s8, $0xFFFFF086  }
0x1c: {  	p1 =	slt.u32 s9, $0xF7A;
	s5 =	simm.s32 @!p2 $0x0  }
0x1d: {  	s5 =	simm.s32 @p1 $0x1;
	p0 =	seq.s32 s7, s2  }
0x1e: {  	s7 =	smul.u32 @!p0 $0xF7A, s2;
	p2 =	seq.s32 @!p0 s5, $0x0  }
0x1f: {  	s9 =	smul.u32 $0xF7A, s1;
	s8 =	simm.s32 @!p0 $0x1BF5;
	p2 =	por !p2, p0  }
0x20: {  	[sflag:s8] =	ssyncset.s32 @!p0 $0xFFFFF086;
	s6 =	sadd.s32 @!p0 s3, s7;
	s7 =	simm.s32 @!p0 $0x108  }
0x21: {  	s3 =	sadd.s32 s3, s9;
	s6 =	sadd.s32 @!p0 $0x88, s6;
	s7 =	simm.s32 @p2 $0x1082  }
0x22: {  	[simem:s7], [sflag:s8] =	dma.local @!p0 [hbm:s6], $0xF7A  }
0x23: {  	s9 =	sor.u32 $0xD0000000, s2;
	s6 =	simm.s32 $0x108;
	_ =	swait.ge @!p0 [sflag:s8], $0x0  }
0x24: {  	s3 =	sadd.s32 $0x88, s3;
	s6 =	simm.s32 @!p1 $0x1082;
	[sflag:s4] =	ssyncset.s32 $0xFFFFF086  }
0x25: {  	[simem:s6], [sflag:s4] =	dma.local [hbm:s3], $0xF7A  }
0x26: {  	[smem:$0x3F99] =	sst s1;
	(tag) =	ssettag s2;
	_ =	strace s9  }
0x27: {  	s1 =	sld [smem:$0x3FA9]  }
0x28: {  	s2 =	sld [smem:$0x3FAA]  }
0x29: {  	s4 =	sld [smem:$0x3FAC]  }
0x2a: {  	p0 =	seq.s32 s5, $0x0;
	s5 =	sld [smem:$0x3FAD]  }
0x2b: {  	s6 =	sld [smem:$0x3FAE]  }
0x2c: {  	s7 =	sld [smem:$0x3FAF]  }
0x2d: {  	s3 =	simm.s32 $0x108;
	s8 =	sld [smem:$0x3FB0]  }
0x2e: {  	s3 =	simm.s32 @!p0 $0x1082;
	s9 =	sld [smem:$0x3FB1]  }
0x2f: {  	lr =	sadd.s32 s0, s3;
	s0 =	sld [smem:$0x3FA8]  }
0x30: {  	s3 =	sld [smem:$0x3FAB]  }
0x31: {  	[smem:$0x3FB4] =	sst s10  }
0x32: {  	s10 =	sld [smem:$0x3FB2];
	_ =	sdelay $0x3  }
0x33: {  	p0 =	seq.s32 s10, $0x1;
	s10 =	sld [smem:$0x3FB4];
	_ =	sdelay $0x3  }
0x34: {  	[smem:$0x3FB4] =	sst s10  }
0x35: {  	s10 =	sld [smem:$0x3FB3];
	_ =	sdelay $0x3  }
0x36: {  	p1 =	seq.s32 s10, $0x1;
	s10 =	sld [smem:$0x3FB4];
	_ =	sdelay $0x3  }
0x37: {  	[smem:$0x3FB4] =	sst s10  }
0x38: {  	s10 =	sld [smem:$0x3FB5]  }
0x39: {  	_ = 	snop;
	(pc) =	sbr.ind lr, $3  }
0x3a: {  	_ = 	snop  }
0x3b: {  	_ = 	snop  }
0x3c: {  	p2 =	seq.s32 s10, $0x1;
	s10 =	sld [smem:$0x3FB4]  }
0x3d: {  	_ =	shalt  }
0x3e: {  	_ =	shalt  }
0x3f: {  	_ =	shalt  }
0x40: {  	_ =	shalt  }
0x41: {  	_ =	shalt  }
0x42: {  	_ =	shalt  }
0x43: {  	_ =	shalt  }
0x44: {  	_ =	shalt  }
0x45: {  	_ =	shalt  }
0x46: {  	_ =	shalt  }
0x47: {  	_ =	shalt  }
0x48: {  	_ =	shalt  }
0x49: {  	_ =	shalt  }
0x4a: {  	_ =	shalt  }
0x4b: {  	_ =	shalt  }
0x4c: {  	_ =	shalt  }
0x4d: {  	_ =	shalt  }
0x4e: {  	_ =	shalt  }
0x4f: {  	_ =	shalt  }
0x50: {  	_ =	shalt  }
0x51: {  	_ =	shalt  }
0x52: {  	_ =	shalt  }
0x53: {  	_ =	shalt  }
0x54: {  	_ =	shalt  }
0x55: {  	_ =	shalt  }
0x56: {  	_ =	shalt  }
0x57: {  	_ =	shalt  }
0x58: {  	_ =	shalt  }
0x59: {  	_ =	shalt  }
0x5a: {  	_ =	shalt  }
0x5b: {  	_ =	shalt  }
0x5c: {  	_ =	shalt  }
0x5d: {  	_ =	shalt  }
0x5e: {  	_ =	shalt  }
0x5f: {  	_ =	shalt  }
0x60: {  	_ =	shalt  }
0x61: {  	_ =	shalt  }
0x62: {  	_ =	shalt  }
0x63: {  	_ =	shalt  }
0x64: {  	_ =	shalt  }
0x65: {  	_ =	shalt  }
0x66: {  	_ =	shalt  }
0x67: {  	_ =	shalt  }
0x68: {  	_ =	shalt  }
0x69: {  	_ =	shalt  }
0x6a: {  	_ =	shalt  }
0x6b: {  	_ =	shalt  }
0x6c: {  	_ =	shalt  }
0x6d: {  	_ =	shalt  }
0x6e: {  	_ =	shalt  }
0x6f: {  	_ =	shalt  }
0x70: {  	_ =	shalt  }
0x71: {  	_ =	shalt  }
0x72: {  	_ =	shalt  }
0x73: {  	_ =	shalt  }
0x74: {  	_ =	shalt  }
0x75: {  	_ =	shalt  }
0x76: {  	_ =	shalt  }
0x77: {  	_ =	shalt  }
0x78: {  	_ =	shalt  }
0x79: {  	_ =	shalt  }
0x7a: {  	_ =	shalt  }
0x7b: {  	_ =	shalt  }
0x7c: {  	_ =	shalt  }
0x7d: {  	_ =	shalt  }
0x7e: {  	_ =	shalt  }
0x7f: {  	_ =	shalt  }
0x80: {  	_ =	shalt  }
0x81: {  	_ =	shalt  }
0x82: {  	_ =	shalt  }
0x83: {  	_ =	shalt  }
0x84: {  	_ =	shalt  }
0x85: {  	_ =	shalt  }
0x86: {  	_ =	shalt  }
0x87: {  	_ =	shalt  }
.Lfunc_end0:
.L_simem_size_0:
called_computation.3_lowered:
.L_overlay_start_0:
0x88: {  	s2 =	sld [smem:$0x3FD9]  }
0x89: {  	s3 =	sld [smem:$0x3FFE];
	_ =	sdelay $0x1  }
0x8a: {  	s1 =	srdreg.scid  }
0x8b: {  	s0 =	sand.u32 $0x1, s1  }
0x8c: {  	s14 =	sshll.u32 s0, $0xA;
	s2 =	sadd.s32 s3, s2  }
0x8d: {  	s2 =	sadd.s32 s2, s14  }
0x8e: {  	[smem:$0x3FC0] =	sst s2  }
0x8f: {  	_ = 	snop  }
0x90: {  	s2 =	sld [smem:$0x3FD0];
	_ =	sdelay $0x2  }
0x91: {  	s15 =	simm.s32 $0xA;
	s4 =	simm.s32 $0x10  }
0x92: {  	[smem:s4], [sflag:s15] =	dma.local [hbm:s2], $0x1  }
0x93: {  	_ =	swait.eq [sflag:s15], $0x1  }
0x94: {  	[sflag:s15] =	ssyncset.done $0x0  }
0x95: {  	[sflag:s15] =	ssyncadd.s32 $0xFFFFFFFF  }
0x96: {  	s16 =	sld [smem:$0x10];
	(tm) =	ssettm $0x1  }
0x97: {  	s17 =	sld [smem:$0x3FFB];
	_ =	sdelay $0x3  }
0x98: {  	_ =	strace s17  }
0x99: {  	s3 =	sld [smem:$0x3FFC];
	_ =	sdelay $0x3  }
0x9a: {  	_ =	strace s3  }
0x9b: {  	s3 =	sld [smem:$0x3FFD];
	_ =	sdelay $0x3  }
0x9c: {  	_ =	strace s3  }
0x9d: {  	_ =	strace $0x8FFFFFFF  }
0x9e: {  	s18 =	sld [smem:$0x3FDB];
	_ =	sdelay $0x1  }
0x9f: {  	s19 =	simm.s32 $_scs_section_size  }
0xa0: {  	s5 =	simm.s32 $_size__tile_overlayer_lowered;
	s6 =	simm.s32 $_tile_overlayer_lowered  }
0xa1: {  	s22 =	simm.s32 $0x1BFF;
	s21 =	sshll.u32 s6, $0x1;
	s3 =	sadd.s32 s19, s18  }
0xa2: {  	s7 =	simm.s32 $0x0;
	s20 =	sshll.u32 s5, $0x1;
	s5 =	sadd.s32 s21, s3  }
0xa3: {  	[timem:s7], [sflag:s22] =	dma.local [hbm:s5], s20  }
0xa4: {  	_ =	swait.ge [sflag:s22], s20  }
0xa5: {  	s4 =	ssub.s32 $0x0, s20;
	[sflag:s22] =	ssyncset.done $0x0  }
0xa6: {  	[sflag:s22] =	ssyncadd.s32 s4;
	_ =	sdelay $0x1  }
0xa7: {  	s23 =	simm.s32 $0x1B8B  }
0xa8: {  	_ =	swait.ge [sflag:s23], $0x1  }
0xa9: {  	[sflag:s23] =	ssyncset.done $0x0  }
0xaa: {  	s25 =	simm.s32 $0x1B8E;
	s24 =	sld [smem:$0x3FFE];
	[sflag:s23] =	ssyncadd.s32 $0xFFFFFFFF  }
0xab: {  	s26 =	simm.s32 $execute0_lowered;
	[smem:$0x3FD2] =	sst s25  }
0xac: {  	s5 =	sshll.u32 s26, $0x1;
	_ =	strace $0x8000004F;
	[dreg:$0x1] =	wrdreg $0xFFFFFFFF  }
0xad: {  	s28 =	simm.s32 $_size_execute0_lowered;
	s3 =	sadd.s32 s3, s5;
	[dreg:$0x0] =	wrdreg $0x0  }
0xae: {  	s5 =	sshll.u32 s28, $0x1;
	[dreg:$0x2] =	wrdreg s3  }
0xaf: {  	[dreg:$0x3] =	wrdreg s5  }
0xb0: {  	[dreg:$0x4] =	wrdreg $0xC0  }
0xb1: {  	_ =	task [dreg:s7], $0x5FFFF  }
0xb2: {  	[dreg:$0x1] =	wrdreg $0xFFFFFFFF  }
0xb3: {  	[dreg:$0x0] =	wrdreg $0x60  }
0xb4: {  	[dreg:$0x2] =	wrdreg s24  }
0xb5: {  	[dreg:$0x3] =	wrdreg s16  }
0xb6: {  	[dreg:$0x4] =	wrdreg $0x9  }
0xb7: {  	_ =	task.clear_ibuf [dreg:s7], $0x5FFFF;
	_ =	strace $0x9000004F  }
0xb8: {  	s29 =	simm.s32 $0x9;
	_ =	strace $0x80000051  }
0xb9: {  	_ =	swait.ge [sflag:s29], $0x1  }
0xba: {  	[sflag:s29] =	ssyncadd.s32 $0xFFFFFFFF  }
0xbb: {  	_ =	strace $0x90000051  }
0xbc: {  	_ =	sfence  }
0xbd: {  	s30 =	sld [smem:$0x0];
	_ =	sdelay $0x2  }
0xbe: {  	s31 =	sshll.u32 s1, $0xD;
	s1 =	sshrl.u32 s1, $0x2  }
0xbf: {  	s3 =	sand.u32 $0x4000, s31;
	s1 =	sadd.s32 s1, s30  }
0xc0: {  	s0 =	sor.u32 s3, s0;
	s1 =	sshll.u32 s1, $0x11  }
0xc1: {  	s0 =	sor.u32 s1, s0  }
0xc2: {  	s0 =	sadd.s32 $0x8F2B, s0  }
0xc3: {  	[sflag:s0] =	ssyncadd.remote.s32 $0x1  }
0xc4: {  	_ =	sfence.sel $0xFFFF  }
0xc5: {  	[dreg:$0x0] =	wrdreg $0xFFFFFFFF;
	(pc) =	sbr.abs _section_cstart, $3  }
0xc6: {  	[dreg:$0x1] =	wrdreg $0xFFFFFFFF  }
0xc7: {  	_ =	task.clear_ibuf [dreg:s7], $0x2FFFF;
	_ =	strace $0x9FFFFFFF  }
0xc8: {  	(tm) =	ssettm $0x7FFFFFFF  }
0xc9: {  	_ =	shalt  }
tec
execute0_lowered:
.L_overlay_start_1:
0x0: {  	(tag) =	ssettag $0x1  }
0x1: {  	s1 =	srdreg.scid;
	s0 =	stileid.u32  }
0x2: {  	s13 =	sand.u32 $0x1, s1;
	s12 =	smul.u32 $0x120, s0  }
0x3: {  	s9 =	rddreg [dreg:$0x0];
	s15 =	smul.u32 $0x1200, s13  }
0x4: {  	s14 =	rddreg [dreg:$0x1];
	s2 =	simm.s32 $0x0  }
0x5: {  	[smem:$0x7FF] =	sst s2;
	s3 =	smul.u32 $0x28000, s13;
	s4 =	sadd.s32 s15, s12  }
0x6: {  	s1 =	rddreg [dreg:$0x2];
	_ =	strace $0x80000050;
	s4 =	sshrl.u32 s4, $0x3  }
0x7: {  	s5 =	sadd.s32 s3, s9;
	s3 =	simm.s32 $0x2;
	s4 =	sadd.s32 s14, s4  }
0x8: {  	[tilespmem:s2], [sflag:$0x2] =	stream.linear.gather [hbm4b:s4+s2], $0x60, $0x38;
	[tilespmem:$0x3080] =	vst v63  }
0x9: {  	s6 =	simm.s32 $0x60;
	s7 =	simm.s32 $0x80;
	_ =	swait.ge [sflag:s3], $0x60  }
0xa: {  	s8 =	simm.s32 $0x1;
	s10 =	smul.u32 $0x9000, s0;
	[sflag:s3] =	ssyncset.done $0x0  }
0xb: {  	s16 =	smul.u32 $0x90000, s13;
	s5 =	sadd.s32 $0x2C00, s5;
	[sflag:s3] =	ssyncadd.s32 $0xFFFFFFA0  }
0xc: {  	[tilespmem:s7], [sflag:$0x1] =	stream.indirect.gather [hbm4b:s5+s6], $0x80, s2, s6, $0xb8;
	[tilespmem:$0x3080] =	vst v63  }
0xd: {  	s10 =	sadd.s32 s16, s10;
	_ =	swait.ge [sflag:s8], $0x3000  }
0xe: {  	s17 =	sadd.s32 $0x52C00, s9;
	s25 =	sshrl.u32 s10, $0x3;
	[sflag:s8] =	ssyncset.done $0x0  }
0xf: {  	s11 =	sadd.s32 $0x60, s12;
	s9 =	sadd.s32 s17, s25;
	[sflag:s8] =	ssyncadd.s32 $0xFFFFD000  }
0x10: {  	[hbm4b:s9+s2] =	stream.linear.scatter [tilespmem:s7], [sflag:$0x2], $0x3000, $0x38;
	[tilespmem:$0x3080] =	vst v63  }
0x11: {  	s26 =	sadd.s32 s15, s11;
	_ =	swait.ge [sflag:s3], $0x3000  }
0x12: {  	s10 =	sshrl.u32 s26, $0x3;
	[sflag:s3] =	ssyncset.done $0x0  }
0x13: {  	s10 =	sadd.s32 s14, s10;
	[sflag:s3] =	ssyncadd.s32 $0xFFFFD000  }
0x14: {  	[tilespmem:s2], [sflag:$0x2] =	stream.linear.gather [hbm4b:s10+s2], $0x60, $0x38;
	[tilespmem:$0x3080] =	vst v63  }
0x15: {  	_ =	swait.ge [sflag:s3], $0x60  }
0x16: {  	[sflag:s3] =	ssyncset.done $0x0  }
0x17: {  	s11 =	sshll.u32 s11, $0x7;
	[sflag:s3] =	ssyncadd.s32 $0xFFFFFFA0  }
0x18: {  	[tilespmem:s7], [sflag:$0x1] =	stream.indirect.gather [hbm4b:s5+s6], $0x80, s2, s6, $0xb8;
	[tilespmem:$0x3080] =	vst v63  }
0x19: {  	s11 =	sadd.s32 s16, s11;
	_ =	swait.ge [sflag:s8], $0x3000  }
0x1a: {  	s11 =	sshrl.u32 s11, $0x3;
	[sflag:s8] =	ssyncset.done $0x0  }
0x1b: {  	s18 =	sadd.s32 $0xC0, s12;
	s11 =	sadd.s32 s17, s11;
	[sflag:s8] =	ssyncadd.s32 $0xFFFFD000  }
0x1c: {  	[hbm4b:s11+s2] =	stream.linear.scatter [tilespmem:s7], [sflag:$0x2], $0x3000, $0x38;
	[tilespmem:$0x3080] =	vst v63  }
0x1d: {  	s12 =	sadd.s32 s15, s18;
	_ =	swait.ge [sflag:s3], $0x3000  }
0x1e: {  	s12 =	sshrl.u32 s12, $0x3;
	[sflag:s3] =	ssyncset.done $0x0  }
0x1f: {  	s13 =	ssub.s32 $0x2, s13;
	s12 =	sadd.s32 s14, s12;
	[sflag:s3] =	ssyncadd.s32 $0xFFFFD000  }
0x20: {  	[tilespmem:s2], [sflag:$0x2] =	stream.linear.gather [hbm4b:s12+s2], $0x60, $0x38;
	[tilespmem:$0x3080] =	vst v63  }
0x21: {  	s29 =	sshrl.u32 s13, $0x1;
	_ =	swait.ge [sflag:s3], $0x60  }
0x22: {  	s15 =	ssub.s32 s13, s29;
	[sflag:s3] =	ssyncset.done $0x0  }
0x23: {  	s28 =	sshll.u32 s18, $0x7;
	s31 =	smax.u32 s15, $0x1;
	[sflag:s3] =	ssyncadd.s32 $0xFFFFFFA0  }
0x24: {  	[tilespmem:s7], [sflag:$0x1] =	stream.indirect.gather [hbm4b:s5+s6], $0x80, s2, s6, $0xb8;
	[tilespmem:$0x3080] =	vst v63  }
0x25: {  	s14 =	sadd.s32 s16, s28;
	p0 =	sne.s32 s31, $0x1;
	_ =	swait.ge [sflag:s8], $0x3000  }
.Ltmp0:
0x26: {  	s30 =	sshrl.u32 s14, $0x3;
	[sflag:s8] =	ssyncset.done $0x0;
	(pc) =	sbr.rel @!p0 .LBB2_2-.Ltmp0, $4  }
0x27: {  	s13 =	sadd.s32 s17, s30;
	[sflag:s8] =	ssyncadd.s32 $0xFFFFD000  }
0x28: {  	[hbm4b:s13+s2] =	stream.linear.scatter [tilespmem:s7], [sflag:$0x2], $0x3000, $0x38;
	[tilespmem:$0x3080] =	vst v63  }
0x29: {  	_ =	swait.ge [sflag:s3], $0x3000  }
0x2a: {  	s14 =	sadd.s32 $0xFFFFFFFF, s31;
	[sflag:s3] =	ssyncset.done $0x0  }
.LBB2_1:
0x2b: {  	p0 =	sne.s32 s14, $0x1;
	s14 =	sadd.s32 $0xFFFFFFFF, s14;
	[sflag:s3] =	ssyncadd.s32 $0xFFFFD000  }
0x2c: {  	[tilespmem:s2], [sflag:$0x2] =	stream.linear.gather [hbm4b:s4+s2], $0x60, $0x38;
	[tilespmem:$0x3080] =	vst v63  }
0x2d: {  	_ =	swait.ge [sflag:s3], $0x60  }
0x2e: {  	[sflag:s3] =	ssyncset.done $0x0  }
0x2f: {  	[sflag:s3] =	ssyncadd.s32 $0xFFFFFFA0  }
0x30: {  	[tilespmem:s7], [sflag:$0x1] =	stream.indirect.gather [hbm4b:s5+s6], $0x80, s2, s6, $0xb8;
	[tilespmem:$0x3080] =	vst v63  }
0x31: {  	_ =	swait.ge [sflag:s8], $0x3000  }
0x32: {  	[sflag:s8] =	ssyncset.done $0x0  }
0x33: {  	[sflag:s8] =	ssyncadd.s32 $0xFFFFD000  }
0x34: {  	[hbm4b:s9+s2] =	stream.linear.scatter [tilespmem:s7], [sflag:$0x2], $0x3000, $0x38;
	[tilespmem:$0x3080] =	vst v63  }
0x35: {  	_ =	swait.ge [sflag:s3], $0x3000  }
0x36: {  	[sflag:s3] =	ssyncset.done $0x0  }
0x37: {  	[sflag:s3] =	ssyncadd.s32 $0xFFFFD000  }
0x38: {  	[tilespmem:s2], [sflag:$0x2] =	stream.linear.gather [hbm4b:s10+s2], $0x60, $0x38;
	[tilespmem:$0x3080] =	vst v63  }
0x39: {  	_ =	swait.ge [sflag:s3], $0x60  }
0x3a: {  	[sflag:s3] =	ssyncset.done $0x0  }
0x3b: {  	[sflag:s3] =	ssyncadd.s32 $0xFFFFFFA0  }
0x3c: {  	[tilespmem:s7], [sflag:$0x1] =	stream.indirect.gather [hbm4b:s5+s6], $0x80, s2, s6, $0xb8;
	[tilespmem:$0x3080] =	vst v63  }
0x3d: {  	_ =	swait.ge [sflag:s8], $0x3000  }
0x3e: {  	[sflag:s8] =	ssyncset.done $0x0  }
0x3f: {  	[sflag:s8] =	ssyncadd.s32 $0xFFFFD000  }
0x40: {  	[hbm4b:s11+s2] =	stream.linear.scatter [tilespmem:s7], [sflag:$0x2], $0x3000, $0x38;
	[tilespmem:$0x3080] =	vst v63  }
0x41: {  	_ =	swait.ge [sflag:s3], $0x3000  }
0x42: {  	[sflag:s3] =	ssyncset.done $0x0  }
0x43: {  	[sflag:s3] =	ssyncadd.s32 $0xFFFFD000  }
0x44: {  	[tilespmem:s2], [sflag:$0x2] =	stream.linear.gather [hbm4b:s12+s2], $0x60, $0x38;
	[tilespmem:$0x3080] =	vst v63  }
0x45: {  	_ =	swait.ge [sflag:s3], $0x60  }
0x46: {  	[sflag:s3] =	ssyncset.done $0x0  }
0x47: {  	[sflag:s3] =	ssyncadd.s32 $0xFFFFFFA0  }
0x48: {  	[tilespmem:s7], [sflag:$0x1] =	stream.indirect.gather [hbm4b:s5+s6], $0x80, s2, s6, $0xb8;
	[tilespmem:$0x3080] =	vst v63  }
0x49: {  	_ =	swait.ge [sflag:s8], $0x3000  }
.Ltmp1:
0x4a: {  	[sflag:s8] =	ssyncset.done $0x0;
	(pc) =	sbr.rel @p0 .LBB2_1-.Ltmp1, $4  }
0x4b: {  	[sflag:s8] =	ssyncadd.s32 $0xFFFFD000  }
0x4c: {  	[hbm4b:s13+s2] =	stream.linear.scatter [tilespmem:s7], [sflag:$0x2], $0x3000, $0x38;
	[tilespmem:$0x3080] =	vst v63  }
0x4d: {  	_ =	swait.ge [sflag:s3], $0x3000  }
0x4e: {  	[sflag:s3] =	ssyncset.done $0x0  }
.LBB2_2:
0x4f: {  	[sflag:s3] =	ssyncadd.s32 $0xFFFFD000  }
0x50: {  	_ =	sfence.sel $0x180000  }
0x51: {  	[bflag:$0x0] =	sbarrier.arrive $0xFFFF  }
0x52: {  	p0 =	sne.s32 s0, $0x0;
	_ =	strace $0x90000050  }
0x53: {  	s0 =	sadd.s32 @!p0 $0x100000, s1;
	[bflag:$0x2] =	sbarrier.arrive $0xFFFF  }
0x54: {  	[sflag:s0] =	ssyncadd.tile.s32 @!p0 $0x1;
	_ =	shalt  }
.Lfunc_end2:
_tile_overlayer_lowered:
.L_overlay_start_2:
0x55: {  	(tag) =	ssettag $0x2  }
0x56: {  	s0 =	rddreg [dreg:$0x0];
	s2 =	stileid.u32  }
0x57: {  	s1 =	rddreg [dreg:$0x1];
	p0 =	sne.s32 s2, $0x0  }
0x58: {  	s3 =	rddreg [dreg:$0x2];
	[bflag:$0x3] =	sbarrier.arrive $0xFFFF;
	s2 =	simm.s32 @!p0 $0x1C02  }
0x59: {  	[timem:s3], [sflag:s2] =	dma.local @!p0 [hbm:s0], s1  }
0x5a: {  	s0 =	simm.s32 @!p0 $0x2  }
0x5b: {  	_ =	swait.ge @!p0 [sflag:s0], s1  }
0x5c: {  	s1 =	ssub.s32 @!p0 $0x0, s1;
	[sflag:s0] =	ssyncset.done @!p0 $0x0  }
0x5d: {  	[sflag:s0] =	ssyncadd.s32 @!p0 s1  }
0x5e: {  	[bflag:$0x3] =	sbarrier.arrive $0xFFFF  }
0x5f: {  	_ =	shalt  }

// kernel: kernel.9.cloned.1.call-start
scs
__scs_entry_jumppad:
0x0: {  	(pc) =	sbr.rel $0x88, $3  }
0x1: {  	(tag) =	ssettag $0x0;
	lr =	simm.s32 $0x1  }
0x2: {  	[smem:$0x3F99] =	sst lr;
	_ =	strace $0xD0000000  }
0x3: {  	_ = 	snop  }
0x4: {  	_ = 	snop  }
0x5: {  	_ = 	snop  }
0x6: {  	_ = 	snop  }
0x7: {  	_ = 	snop  }
__scs_overlays_trampoline_lowered:
0x8: {  	[smem:$0x3FA8] =	sst s0  }
0x9: {  	[smem:$0x3FA9] =	sst s1  }
0xa: {  	[smem:$0x3FAA] =	sst s2  }
0xb: {  	[smem:$0x3FAB] =	sst s3  }
0xc: {  	[smem:$0x3FAC] =	sst s4  }
0xd: {  	[smem:$0x3FAD] =	sst s5  }
0xe: {  	[smem:$0x3FAE] =	sst s6  }
0xf: {  	[smem:$0x3FAF] =	sst s7  }
0x10: {  	[smem:$0x3FB0] =	sst s8  }
0x11: {  	[smem:$0x3FB1] =	sst s9;
	s0 =	simm.s32 @!p0 $0x0  }
0x12: {  	s1 =	sld [smem:$0x3F97];
	s0 =	simm.s32 @p0 $0x1  }
0x13: {  	[smem:$0x3FB2] =	sst s0;
	s0 =	simm.s32 @!p1 $0x0  }
0x14: {  	s2 =	sld [smem:$0x3F96];
	s0 =	simm.s32 @p1 $0x1  }
0x15: {  	[smem:$0x3FB3] =	sst s0;
	s0 =	simm.s32 @!p2 $0x0  }
0x16: {  	s3 =	sld [smem:$0x3FDB];
	s0 =	simm.s32 @p2 $0x1  }
0x17: {  	s4 =	simm.s32 $0x1BF5;
	[smem:$0x3FB5] =	sst s0  }
0x18: {  	s0 =	sld [smem:$0x3F98];
	_ =	swait.ge [sflag:s4], $0x0  }
0x19: {  	s7 =	sld [smem:$0x3F99]  }
0x1a: {  	s8 =	sadd.s32 $0xFFFFE003, lr  }
0x1b: {  	s9 =	sadd.s32 $0xFFFFFEF7, lr;
	s5 =	simm.s32 $0xFFFFFFFF;
	p2 =	slt.u32 s8, $0xFFFFF086  }
0x1c: {  	p1 =	slt.u32 s9, $0xF7A;
	s5 =	simm.s32 @!p2 $0x0  }
0x1d: {  	s5 =	simm.s32 @p1 $0x1;
	p0 =	seq.s32 s7, s2  }
0x1e: {  	s7 =	smul.u32 @!p0 $0xF7A, s2;
	p2 =	seq.s32 @!p0 s5, $0x0  }
0x1f: {  	s9 =	smul.u32 $0xF7A, s1;
	s8 =	simm.s32 @!p0 $0x1BF5;
	p2 =	por !p2, p0  }
0x20: {  	[sflag:s8] =	ssyncset.s32 @!p0 $0xFFFFF086;
	s6 =	sadd.s32 @!p0 s3, s7;
	s7 =	simm.s32 @!p0 $0x108  }
0x21: {  	s3 =	sadd.s32 s3, s9;
	s6 =	sadd.s32 @!p0 $0x88, s6;
	s7 =	simm.s32 @p2 $0x1082  }
0x22: {  	[simem:s7], [sflag:s8] =	dma.local @!p0 [hbm:s6], $0xF7A  }
0x23: {  	s9 =	sor.u32 $0xD0000000, s2;
	s6 =	simm.s32 $0x108;
	_ =	swait.ge @!p0 [sflag:s8], $0x0  }
0x24: {  	s3 =	sadd.s32 $0x88, s3;
	s6 =	simm.s32 @!p1 $0x1082;
	[sflag:s4] =	ssyncset.s32 $0xFFFFF086  }
0x25: {  	[simem:s6], [sflag:s4] =	dma.local [hbm:s3], $0xF7A  }
0x26: {  	[smem:$0x3F99] =	sst s1;
	(tag) =	ssettag s2;
	_ =	strace s9  }
0x27: {  	s1 =	sld [smem:$0x3FA9]  }
0x28: {  	s2 =	sld [smem:$0x3FAA]  }
0x29: {  	s4 =	sld [smem:$0x3FAC]  }
0x2a: {  	p0 =	seq.s32 s5, $0x0;
	s5 =	sld [smem:$0x3FAD]  }
0x2b: {  	s6 =	sld [smem:$0x3FAE]  }
0x2c: {  	s7 =	sld [smem:$0x3FAF]  }
0x2d: {  	s3 =	simm.s32 $0x108;
	s8 =	sld [smem:$0x3FB0]  }
0x2e: {  	s3 =	simm.s32 @!p0 $0x1082;
	s9 =	sld [smem:$0x3FB1]  }
0x2f: {  	lr =	sadd.s32 s0, s3;
	s0 =	sld [smem:$0x3FA8]  }
0x30: {  	s3 =	sld [smem:$0x3FAB]  }
0x31: {  	[smem:$0x3FB4] =	sst s10  }
0x32: {  	s10 =	sld [smem:$0x3FB2];
	_ =	sdelay $0x3  }
0x33: {  	p0 =	seq.s32 s10, $0x1;
	s10 =	sld [smem:$0x3FB4];
	_ =	sdelay $0x3  }
0x34: {  	[smem:$0x3FB4] =	sst s10  }
0x35: {  	s10 =	sld [smem:$0x3FB3];
	_ =	sdelay $0x3  }
0x36: {  	p1 =	seq.s32 s10, $0x1;
	s10 =	sld [smem:$0x3FB4];
	_ =	sdelay $0x3  }
0x37: {  	[smem:$0x3FB4] =	sst s10  }
0x38: {  	s10 =	sld [smem:$0x3FB5]  }
0x39: {  	_ = 	snop;
	(pc) =	sbr.ind lr, $3  }
0x3a: {  	_ = 	snop  }
0x3b: {  	_ = 	snop  }
0x3c: {  	p2 =	seq.s32 s10, $0x1;
	s10 =	sld [smem:$0x3FB4]  }
0x3d: {  	_ =	shalt  }
0x3e: {  	_ =	shalt  }
0x3f: {  	_ =	shalt  }
0x40: {  	_ =	shalt  }
0x41: {  	_ =	shalt  }
0x42: {  	_ =	shalt  }
0x43: {  	_ =	shalt  }
0x44: {  	_ =	shalt  }
0x45: {  	_ =	shalt  }
0x46: {  	_ =	shalt  }
0x47: {  	_ =	shalt  }
0x48: {  	_ =	shalt  }
0x49: {  	_ =	shalt  }
0x4a: {  	_ =	shalt  }
0x4b: {  	_ =	shalt  }
0x4c: {  	_ =	shalt  }
0x4d: {  	_ =	shalt  }
0x4e: {  	_ =	shalt  }
0x4f: {  	_ =	shalt  }
0x50: {  	_ =	shalt  }
0x51: {  	_ =	shalt  }
0x52: {  	_ =	shalt  }
0x53: {  	_ =	shalt  }
0x54: {  	_ =	shalt  }
0x55: {  	_ =	shalt  }
0x56: {  	_ =	shalt  }
0x57: {  	_ =	shalt  }
0x58: {  	_ =	shalt  }
0x59: {  	_ =	shalt  }
0x5a: {  	_ =	shalt  }
0x5b: {  	_ =	shalt  }
0x5c: {  	_ =	shalt  }
0x5d: {  	_ =	shalt  }
0x5e: {  	_ =	shalt  }
0x5f: {  	_ =	shalt  }
0x60: {  	_ =	shalt  }
0x61: {  	_ =	shalt  }
0x62: {  	_ =	shalt  }
0x63: {  	_ =	shalt  }
0x64: {  	_ =	shalt  }
0x65: {  	_ =	shalt  }
0x66: {  	_ =	shalt  }
0x67: {  	_ =	shalt  }
0x68: {  	_ =	shalt  }
0x69: {  	_ =	shalt  }
0x6a: {  	_ =	shalt  }
0x6b: {  	_ =	shalt  }
0x6c: {  	_ =	shalt  }
0x6d: {  	_ =	shalt  }
0x6e: {  	_ =	shalt  }
0x6f: {  	_ =	shalt  }
0x70: {  	_ =	shalt  }
0x71: {  	_ =	shalt  }
0x72: {  	_ =	shalt  }
0x73: {  	_ =	shalt  }
0x74: {  	_ =	shalt  }
0x75: {  	_ =	shalt  }
0x76: {  	_ =	shalt  }
0x77: {  	_ =	shalt  }
0x78: {  	_ =	shalt  }
0x79: {  	_ =	shalt  }
0x7a: {  	_ =	shalt  }
0x7b: {  	_ =	shalt  }
0x7c: {  	_ =	shalt  }
0x7d: {  	_ =	shalt  }
0x7e: {  	_ =	shalt  }
0x7f: {  	_ =	shalt  }
0x80: {  	_ =	shalt  }
0x81: {  	_ =	shalt  }
0x82: {  	_ =	shalt  }
0x83: {  	_ =	shalt  }
0x84: {  	_ =	shalt  }
0x85: {  	_ =	shalt  }
0x86: {  	_ =	shalt  }
0x87: {  	_ =	shalt  }
.Lfunc_end0:
.L_simem_size_0:
called_computation_lowered:
.L_overlay_start_0:
0x88: {  	s2 =	sld [smem:$0x3FD9]  }
0x89: {  	s3 =	sld [smem:$0x3FFE];
	_ =	sdelay $0x1  }
0x8a: {  	s1 =	srdreg.scid  }
0x8b: {  	s0 =	sand.u32 $0x1, s1  }
0x8c: {  	s14 =	sshll.u32 s0, $0xA;
	s2 =	sadd.s32 s3, s2  }
0x8d: {  	s2 =	sadd.s32 s2, s14  }
0x8e: {  	[smem:$0x3FC0] =	sst s2  }
0x8f: {  	_ = 	snop  }
0x90: {  	s2 =	sld [smem:$0x3FD0];
	_ =	sdelay $0x2  }
0x91: {  	s15 =	simm.s32 $0xA;
	s4 =	simm.s32 $0x10  }
0x92: {  	[smem:s4], [sflag:s15] =	dma.local [hbm:s2], $0x1  }
0x93: {  	_ =	swait.eq [sflag:s15], $0x1  }
0x94: {  	[sflag:s15] =	ssyncset.done $0x0  }
0x95: {  	[sflag:s15] =	ssyncadd.s32 $0xFFFFFFFF  }
0x96: {  	s16 =	sld [smem:$0x13];
	(tm) =	ssettm $0x1  }
0x97: {  	s17 =	sld [smem:$0x3FFB];
	_ =	sdelay $0x3  }
0x98: {  	_ =	strace s17  }
0x99: {  	s3 =	sld [smem:$0x3FFC];
	_ =	sdelay $0x3  }
0x9a: {  	_ =	strace s3  }
0x9b: {  	s3 =	sld [smem:$0x3FFD];
	_ =	sdelay $0x3  }
0x9c: {  	_ =	strace s3  }
0x9d: {  	_ =	strace $0x8FFFFFFF  }
0x9e: {  	s18 =	sld [smem:$0x3FDB];
	_ =	sdelay $0x1  }
0x9f: {  	s19 =	simm.s32 $_scs_section_size  }
0xa0: {  	s5 =	simm.s32 $_size__tile_overlayer_lowered;
	s6 =	simm.s32 $_tile_overlayer_lowered  }
0xa1: {  	s22 =	simm.s32 $0x1BFF;
	s21 =	sshll.u32 s6, $0x1;
	s3 =	sadd.s32 s19, s18  }
0xa2: {  	s7 =	simm.s32 $0x0;
	s20 =	sshll.u32 s5, $0x1;
	s5 =	sadd.s32 s21, s3  }
0xa3: {  	[timem:s7], [sflag:s22] =	dma.local [hbm:s5], s20  }
0xa4: {  	_ =	swait.ge [sflag:s22], s20  }
0xa5: {  	s4 =	ssub.s32 $0x0, s20;
	[sflag:s22] =	ssyncset.done $0x0  }
0xa6: {  	[sflag:s22] =	ssyncadd.s32 s4;
	_ =	sdelay $0x1  }
0xa7: {  	s23 =	simm.s32 $0x1B8B  }
0xa8: {  	_ =	swait.ge [sflag:s23], $0x1  }
0xa9: {  	[sflag:s23] =	ssyncset.done $0x0  }
0xaa: {  	s25 =	simm.s32 $0x1B8E;
	s24 =	sld [smem:$0x3FFE];
	[sflag:s23] =	ssyncadd.s32 $0xFFFFFFFF  }
0xab: {  	s26 =	simm.s32 $execute0_lowered;
	[smem:$0x3FD2] =	sst s25  }
0xac: {  	s5 =	sshll.u32 s26, $0x1;
	_ =	strace $0x80000046;
	[dreg:$0x1] =	wrdreg $0xFFFFFFFF  }
0xad: {  	s28 =	simm.s32 $_size_execute0_lowered;
	s3 =	sadd.s32 s3, s5;
	[dreg:$0x0] =	wrdreg $0x0  }
0xae: {  	s5 =	sshll.u32 s28, $0x1;
	[dreg:$0x2] =	wrdreg s3  }
0xaf: {  	[dreg:$0x3] =	wrdreg s5  }
0xb0: {  	[dreg:$0x4] =	wrdreg $0xC0  }
0xb1: {  	_ =	task [dreg:s7], $0x5FFFF  }
0xb2: {  	[dreg:$0x1] =	wrdreg $0xFFFFFFFF  }
0xb3: {  	[dreg:$0x0] =	wrdreg $0x60  }
0xb4: {  	[dreg:$0x2] =	wrdreg s16  }
0xb5: {  	[dreg:$0x3] =	wrdreg s24  }
0xb6: {  	[dreg:$0x4] =	wrdreg $0x40800  }
0xb7: {  	[dreg:$0x5] =	wrdreg $0x9  }
0xb8: {  	_ =	task.clear_ibuf [dreg:s7], $0x6FFFF;
	_ =	strace $0x90000046  }
0xb9: {  	s29 =	simm.s32 $0x9;
	_ =	strace $0x80000048  }
0xba: {  	_ =	swait.ge [sflag:s29], $0x1  }
0xbb: {  	[sflag:s29] =	ssyncadd.s32 $0xFFFFFFFF  }
0xbc: {  	_ =	strace $0x90000048  }
0xbd: {  	_ =	sfence  }
0xbe: {  	s30 =	sld [smem:$0x0];
	_ =	sdelay $0x2  }
0xbf: {  	s31 =	sshll.u32 s1, $0xD;
	s1 =	sshrl.u32 s1, $0x2  }
0xc0: {  	s3 =	sand.u32 $0x4000, s31;
	s1 =	sadd.s32 s1, s30  }
0xc1: {  	s0 =	sor.u32 s3, s0;
	s1 =	sshll.u32 s1, $0x11  }
0xc2: {  	s0 =	sor.u32 s1, s0  }
0xc3: {  	s0 =	sadd.s32 $0x8F2B, s0  }
0xc4: {  	[sflag:s0] =	ssyncadd.remote.s32 $0x1  }
0xc5: {  	_ =	sfence.sel $0xFFFF  }
0xc6: {  	[dreg:$0x0] =	wrdreg $0xFFFFFFFF;
	(pc) =	sbr.abs _section_cstart, $3  }
0xc7: {  	[dreg:$0x1] =	wrdreg $0xFFFFFFFF  }
0xc8: {  	_ =	task.clear_ibuf [dreg:s7], $0x2FFFF;
	_ =	strace $0x9FFFFFFF  }
0xc9: {  	(tm) =	ssettm $0x7FFFFFFF  }
tec
execute0_lowered:
.L_overlay_start_1:
0x0: {  	(tag) =	ssettag $0x1  }
0x1: {  	s19 =	rddreg [dreg:$0x0]  }
0x2: {  	s4 =	rddreg [dreg:$0x1];
	s2 =	srdreg.scid  }
0x3: {  	s1 =	rddreg [dreg:$0x2];
	s5 =	sand.u32 $0x1, s2  }
0x4: {  	s2 =	stileid.u32;
	s16 =	smul.u32 $0x4E800, s5  }
0x5: {  	s0 =	rddreg [dreg:$0x3];
	s3 =	simm.s32 $0x0;
	s7 =	smul.u32 $0x50000, s2  }
0x6: {  	[smem:$0x7FF] =	sst s3;
	s6 =	ssub.s32 $0x2, s5;
	s20 =	smul.u32 $0x140000, s5  }
0x7: {  	s18 =	sadd.s32 $0x2C00, s4;
	s21 =	smul.u32 $0x14000, s2;
	s29 =	sshrl.u32 s6, $0x1  }
0x8: {  	_ =	strace $0x80000047;
	s17 =	smul.u32 $0x4E80, s2;
	s6 =	ssub.s32 s6, s29  }
0x9: {  	s30 =	sshrl.u32 s7, $0x2;
	s10 =	sadd.s32 s20, s21;
	s11 =	sadd.s32 $0x4000, s21  }
0xa: {  	s13 =	sadd.s32 $0x8000, s21;
	s22 =	sadd.s32 $0xC000, s21;
	s21 =	sadd.s32 $0x10000, s21  }
0xb: {  	s17 =	sadd.s32 s17, s16;
	s4 =	sadd.s32 s30, s1;
	s5 =	smax.u32 s6, $0x1  }
0xc: {  	s10 =	sshrl.u32 s10, $0x3;
	s12 =	sadd.s32 s20, s11;
	s14 =	sadd.s32 s20, s13  }
0xd: {  	s11 =	sadd.s32 s11, s1;
	s13 =	sadd.s32 s13, s1;
	s15 =	sadd.s32 s22, s1  }
0xe: {  	s22 =	sadd.s32 s20, s22;
	s20 =	sadd.s32 s20, s21;
	s31 =	sshrl.u32 s17, $0x3  }
0xf: {  	s17 =	sadd.s32 s21, s1;
	s21 =	simm.s32 $0x1;
	s6 =	sadd.s32 $0x4000, s4  }
0x10: {  	s7 =	sadd.s32 $0x8000, s4;
	s8 =	sadd.s32 $0xC000, s4;
	s9 =	sadd.s32 $0x10000, s4  }
0x11: {  	s10 =	sadd.s32 s18, s10;
	s12 =	sshrl.u32 s12, $0x3;
	s14 =	sshrl.u32 s14, $0x3  }
0x12: {  	s22 =	sshrl.u32 s22, $0x3;
	s20 =	sshrl.u32 s20, $0x3;
	s19 =	sadd.s32 s31, s19  }
0x13: {  	s12 =	sadd.s32 s18, s12;
	s14 =	sadd.s32 s18, s14;
	s16 =	sadd.s32 s18, s22  }
0x14: {  	v0 =	vimm.f32 $0.0e+00;
	v1 =	vimm.f32 $1.000000000e+00;
	s18 =	sadd.s32 s18, s20;
	s20 =	simm.s32 $0x80;
	s22 =	simm.s32 $0x0  }
.LBB2_1:
0x15: {  	s23 =	simm.s32 $0x0  }
0x16: {  	s24 =	sand.u32 $0xFFFFFF80, s23  }
0x17: {  	s24 =	ssub.s32 $0x0, s24  }
0x18: {  	s23 =	sand.u32 $0x3FFFFF80, s23;
	s24 =	sand.u32 $0xFFFFFF80, s24  }
0x19: {  	s25 =	sand.u32 $0x70, s3;
	s24 =	sadd.s32 s24, s23  }
0x1a: {  	s23 =	simm.s32 $0x1;
	s25 =	sor.u32 s25, s24;
	s24 =	simm.s32 $0x0  }
.LBB2_2:
0x1b: {  	s26 =	sshll.u32 s23, $0x4;
	p0 =	sne.s32 s23, $0x3FF;
	s23 =	sadd.s32 $0x1, s23;
	[tilespmem:s25+$0x80] =	vst v0  }
.Ltmp0:
0x1c: {  	s24 =	sadd.s32 $0x10, s24;
	s25 =	sand.u32 $0xFFFFFF80, s26;
	(pc) =	sbr.rel @p0 .LBB2_2-.Ltmp0, $4  }
0x1d: {  	s25 =	ssub.s32 s24, s25  }
0x1e: {  	s26 =	sand.u32 $0x3FFFFF80, s26;
	s25 =	sand.u32 $0xFFFFFF80, s25  }
0x1f: {  	s28 =	sand.u32 $0x70, s24;
	s25 =	sadd.s32 s25, s26  }
0x20: {  	s25 =	sor.u32 s28, s25  }
0x21: {  	[tilespmem:s25+$0x80] =	vst v0  }
0x22: {  	[spmem:s4] =	stream.linear.scatter [tilespmem:s20], [sflag:$0x1], $0x4000, $0x38;
	[tilespmem:$0x18080] =	vst v63  }
0x23: {  	_ =	swait.ge [sflag:s21], $0x4000  }
0x24: {  	[sflag:s21] =	ssyncset.done $0x0  }
0x25: {  	[sflag:s21] =	ssyncadd.s32 $0xFFFFC000  }
0x26: {  	[spmem:s6] =	stream.linear.scatter [tilespmem:s20], [sflag:$0x1], $0x4000, $0x38;
	[tilespmem:$0x18080] =	vst v63  }
0x27: {  	_ =	swait.ge [sflag:s21], $0x4000  }
0x28: {  	[sflag:s21] =	ssyncset.done $0x0  }
0x29: {  	[sflag:s21] =	ssyncadd.s32 $0xFFFFC000  }
0x2a: {  	[spmem:s7] =	stream.linear.scatter [tilespmem:s20], [sflag:$0x1], $0x4000, $0x38;
	[tilespmem:$0x18080] =	vst v63  }
0x2b: {  	_ =	swait.ge [sflag:s21], $0x4000  }
0x2c: {  	[sflag:s21] =	ssyncset.done $0x0  }
0x2d: {  	[sflag:s21] =	ssyncadd.s32 $0xFFFFC000  }
0x2e: {  	[spmem:s8] =	stream.linear.scatter [tilespmem:s20], [sflag:$0x1], $0x4000, $0x38;
	[tilespmem:$0x18080] =	vst v63  }
0x2f: {  	s24 =	simm.s32 $0x0;
	_ =	swait.ge [sflag:s21], $0x4000  }
0x30: {  	s23 =	sand.u32 $0xFFFFFF80, s24;
	[sflag:s21] =	ssyncset.done $0x0  }
0x31: {  	s24 =	sand.u32 $0x3FFFFF80, s24;
	s31 =	ssub.s32 $0x0, s23;
	[sflag:s21] =	ssyncadd.s32 $0xFFFFC000  }
0x32: {  	[spmem:s9] =	stream.linear.scatter [tilespmem:s20], [sflag:$0x1], $0x4000, $0x38;
	[tilespmem:$0x18080] =	vst v63  }
0x33: {  	s23 =	simm.s32 $0x0;
	s25 =	sand.u32 $0xFFFFFF80, s31;
	_ =	swait.ge [sflag:s21], $0x4000  }
0x34: {  	s26 =	sand.u32 $0x70, s23;
	s25 =	sadd.s32 s25, s24;
	[sflag:s21] =	ssyncset.done $0x0  }
0x35: {  	s24 =	simm.s32 $0x1;
	s25 =	sor.u32 s26, s25;
	[sflag:s21] =	ssyncadd.s32 $0xFFFFC000  }
.LBB2_4:
0x36: {  	s26 =	sshll.u32 s24, $0x4;
	p0 =	sne.s32 s24, $0x3FF;
	s24 =	sadd.s32 $0x1, s24;
	[tilespmem:s25+$0x80] =	vst v1  }
.Ltmp1:
0x37: {  	s23 =	sadd.s32 $0x10, s23;
	s25 =	sand.u32 $0xFFFFFF80, s26;
	(pc) =	sbr.rel @p0 .LBB2_4-.Ltmp1, $4  }
0x38: {  	s25 =	ssub.s32 s23, s25  }
0x39: {  	s26 =	sand.u32 $0x3FFFFF80, s26;
	s25 =	sand.u32 $0xFFFFFF80, s25  }
0x3a: {  	s28 =	sand.u32 $0x70, s23;
	s25 =	sadd.s32 s25, s26  }
0x3b: {  	s25 =	sor.u32 s28, s25  }
0x3c: {  	[tilespmem:s25+$0x80] =	vst v1  }
0x3d: {  	s23 =	sadd.s32 $0x0, s19;
	[bflag:$0x0] =	sbarrier.arrive $0xFFFF  }
0x3e: {  	[tilespmem:s3], [sflag:$0x1] =	stream.linear.gather [hbm4b:s23+s3], $0x80, $0x38;
	[tilespmem:$0x18080] =	vst v63  }
0x3f: {  	_ =	swait.ge [sflag:s21], $0x80  }
0x40: {  	[sflag:s21] =	ssyncset.done $0x0  }
0x41: {  	[sflag:s21] =	ssyncadd.s32 $0xFFFFFF80  }
0x42: {  	[spmem:s1] =	stream.indirect.scatter.add.f32 [tilespmem:s20], [sflag:$0x1], $0x80, s3, s20, $0xb8;
	[tilespmem:$0x18080] =	vst v63  }
0x43: {  	_ =	swait.ge [sflag:s21], $0x4000  }
0x44: {  	s24 =	simm.s32 $0x20;
	s23 =	simm.s32 $0x10;
	[sflag:s21] =	ssyncset.done $0x0  }
.LBB2_6:
0x45: {  	s25 =	sadd.s32 s23, s19  }
0x46: {  	[sflag:s21] =	ssyncadd.s32 $0xFFFFC000;
	s23 =	smov.u32 s24;
	s26 =	sadd.s32 $0x10, s24  }
0x47: {  	[tilespmem:s3], [sflag:$0x1] =	stream.linear.gather [hbm4b:s25+s3], $0x80, $0x38;
	[tilespmem:$0x18080] =	vst v63  }
0x48: {  	p0 =	sne.s32 s24, $0x9C0;
	_ =	swait.ge [sflag:s21], $0x80  }
.Ltmp2:
0x49: {  	[sflag:s21] =	ssyncset.done $0x0;
	(pc) =	sbr.rel @p0 .LBB2_6-.Ltmp2, $4  }
0x4a: {  	[sflag:s21] =	ssyncadd.s32 $0xFFFFFF80  }
0x4b: {  	[spmem:s1] =	stream.indirect.scatter.add.f32 [tilespmem:s20], [sflag:$0x1], $0x80, s3, s20, $0xb8;
	[tilespmem:$0x18080] =	vst v63  }
0x4c: {  	_ =	swait.ge [sflag:s21], $0x4000  }
0x4d: {  	s24 =	smov.u32 s26;
	[sflag:s21] =	ssyncset.done $0x0  }
0x4e: {  	s23 =	sadd.s32 s23, s19;
	[sflag:s21] =	ssyncadd.s32 $0xFFFFC000  }
0x4f: {  	[tilespmem:s3], [sflag:$0x1] =	stream.linear.gather [hbm4b:s23+s3], $0x80, $0x38;
	[tilespmem:$0x18080] =	vst v63  }
0x50: {  	_ =	swait.ge [sflag:s21], $0x80  }
0x51: {  	[sflag:s21] =	ssyncset.done $0x0  }
0x52: {  	[sflag:s21] =	ssyncadd.s32 $0xFFFFFF80  }
0x53: {  	[spmem:s1] =	stream.indirect.scatter.add.f32 [tilespmem:s20], [sflag:$0x1], $0x80, s3, s20, $0xb8;
	[tilespmem:$0x18080] =	vst v63  }
0x54: {  	_ =	swait.ge [sflag:s21], $0x4000  }
0x55: {  	[sflag:s21] =	ssyncset.done $0x0  }
0x56: {  	[sflag:s21] =	ssyncadd.s32 $0xFFFFC000  }
0x57: {  	[bflag:$0x0] =	sbarrier.arrive $0xFFFF  }
0x58: {  	[tilespmem:s20], [sflag:$0x1] =	stream.linear.gather [spmem:s4], $0x4000, $0x38;
	[tilespmem:$0x18080] =	vst v63  }
0x59: {  	_ =	swait.ge [sflag:s21], $0x4000  }
0x5a: {  	[sflag:s21] =	ssyncset.done $0x0  }
0x5b: {  	[sflag:s21] =	ssyncadd.s32 $0xFFFFC000  }
0x5c: {  	[hbm4b:s10+s3] =	stream.linear.scatter [tilespmem:s20], [sflag:$0x1], $0x4000, $0x38;
	[tilespmem:$0x18080] =	vst v63  }
0x5d: {  	_ =	swait.ge [sflag:s21], $0x4000  }
0x5e: {  	[sflag:s21] =	ssyncset.done $0x0  }
0x5f: {  	[sflag:s21] =	ssyncadd.s32 $0xFFFFC000  }
0x60: {  	[tilespmem:s20], [sflag:$0x1] =	stream.linear.gather [spmem:s11], $0x4000, $0x38;
	[tilespmem:$0x18080] =	vst v63  }
0x61: {  	_ =	swait.ge [sflag:s21], $0x4000  }
0x62: {  	[sflag:s21] =	ssyncset.done $0x0  }
0x63: {  	[sflag:s21] =	ssyncadd.s32 $0xFFFFC000  }
0x64: {  	[hbm4b:s12+s3] =	stream.linear.scatter [tilespmem:s20], [sflag:$0x1], $0x4000, $0x38;
	[tilespmem:$0x18080] =	vst v63  }
0x65: {  	_ =	swait.ge [sflag:s21], $0x4000  }
0x66: {  	[sflag:s21] =	ssyncset.done $0x0  }
0x67: {  	[sflag:s21] =	ssyncadd.s32 $0xFFFFC000  }
0x68: {  	[tilespmem:s20], [sflag:$0x1] =	stream.linear.gather [spmem:s13], $0x4000, $0x38;
	[tilespmem:$0x18080] =	vst v63  }
0x69: {  	_ =	swait.ge [sflag:s21], $0x4000  }
0x6a: {  	[sflag:s21] =	ssyncset.done $0x0  }
0x6b: {  	[sflag:s21] =	ssyncadd.s32 $0xFFFFC000  }
0x6c: {  	[hbm4b:s14+s3] =	stream.linear.scatter [tilespmem:s20], [sflag:$0x1], $0x4000, $0x38;
	[tilespmem:$0x18080] =	vst v63  }
0x6d: {  	_ =	swait.ge [sflag:s21], $0x4000  }
0x6e: {  	[sflag:s21] =	ssyncset.done $0x0  }
0x6f: {  	[sflag:s21] =	ssyncadd.s32 $0xFFFFC000  }
0x70: {  	[tilespmem:s20], [sflag:$0x1] =	stream.linear.gather [spmem:s15], $0x4000, $0x38;
	[tilespmem:$0x18080] =	vst v63  }
0x71: {  	_ =	swait.ge [sflag:s21], $0x4000  }
0x72: {  	[sflag:s21] =	ssyncset.done $0x0  }
0x73: {  	[sflag:s21] =	ssyncadd.s32 $0xFFFFC000  }
0x74: {  	[hbm4b:s16+s3] =	stream.linear.scatter [tilespmem:s20], [sflag:$0x1], $0x4000, $0x38;
	[tilespmem:$0x18080] =	vst v63  }
0x75: {  	_ =	swait.ge [sflag:s21], $0x4000  }
0x76: {  	[sflag:s21] =	ssyncset.done $0x0  }
0x77: {  	[sflag:s21] =	ssyncadd.s32 $0xFFFFC000  }
0x78: {  	[tilespmem:s20], [sflag:$0x1] =	stream.linear.gather [spmem:s17], $0x4000, $0x38;
	[tilespmem:$0x18080] =	vst v63  }
0x79: {  	s22 =	sadd.s32 $0x1, s22;
	_ =	swait.ge [sflag:s21], $0x4000  }
0x7a: {  	p0 =	sne.s32 s22, s5;
	[sflag:s21] =	ssyncset.done $0x0  }
.Ltmp3:
0x7b: {  	[sflag:s21] =	ssyncadd.s32 $0xFFFFC000;
	(pc) =	sbr.rel @p0 .LBB2_1-.Ltmp3, $4  }
0x7c: {  	[hbm4b:s18+s3] =	stream.linear.scatter [tilespmem:s20], [sflag:$0x1], $0x4000, $0x38;
	[tilespmem:$0x18080] =	vst v63  }
0x7d: {  	_ =	swait.ge [sflag:s21], $0x4000  }
0x7e: {  	[sflag:s21] =	ssyncset.done $0x0  }
0x7f: {  	[sflag:s21] =	ssyncadd.s32 $0xFFFFC000  }
0x80: {  	_ =	sfence.sel $0x180000  }
0x81: {  	[bflag:$0x0] =	sbarrier.arrive $0xFFFF  }
0x82: {  	p0 =	sne.s32 s2, $0x0;
	_ =	strace $0x90000047  }
0x83: {  	s0 =	sadd.s32 @!p0 $0x100000, s0;
	[bflag:$0x2] =	sbarrier.arrive $0xFFFF  }
0x84: {  	[sflag:s0] =	ssyncadd.tile.s32 @!p0 $0x1;
	_ =	shalt  }
.Lfunc_end2:
_tile_overlayer_lowered:
.L_overlay_start_2:
0x85: {  	(tag) =	ssettag $0x2  }
0x86: {  	s0 =	rddreg [dreg:$0x0];
	s2 =	stileid.u32  }
0x87: {  	s1 =	rddreg [dreg:$0x1];
	p0 =	sne.s32 s2, $0x0  }
0x88: {  	s3 =	rddreg [dreg:$0x2];
	[bflag:$0x3] =	sbarrier.arrive $0xFFFF;
	s2 =	simm.s32 @!p0 $0x1C01  }
0x89: {  	[timem:s3], [sflag:s2] =	dma.local @!p0 [hbm:s0], s1  }
0x8a: {  	s0 =	simm.s32 @!p0 $0x1  }
0x8b: {  	_ =	swait.ge @!p0 [sflag:s0], s1  }
0x8c: {  	s1 =	ssub.s32 @!p0 $0x0, s1;
	[sflag:s0] =	ssyncset.done @!p0 $0x0  }
0x8d: {  	[sflag:s0] =	ssyncadd.s32 @!p0 s1  }
0x8e: {  	[bflag:$0x3] =	sbarrier.arrive $0xFFFF  }
0x8f: {  	_ =	shalt  }

</sc_bundles>
